<compile_context>
chip_gen: v7x
topology: tpu7x:2x2x1
jax: 0.10.2.dev20260603
libtpu: 0.0.44.dev20260713+nightly
codegen_flags: <defaults>
</compile_context>

<pallas_src>
import functools

import jax
import jax.numpy as jnp
from jax import lax
from jax.experimental import pallas as pl
from jax.experimental.pallas import tpu as pltpu
from jax.experimental.pallas import tpu_sc as plsc

LATENT = 1024
WORD = 256
NB = 8192
BATCH = 4096
M = BATCH * LATENT // WORD
COMMIT = 2.5

BM = 1024
BN = 1024
GRID_M = M // BM
N_CHUNKS = NB // BN


def _dist_argmin_kernel(z_ref, e_ref, idx_ref, loss_ref, eh_ref, e2_ref,
                        acc_ref):
    pid = pl.program_id(0)

    @pl.when(pid == 0)
    def _init():
        e = e_ref[...]
        eh_ref[...] = e.astype(jnp.bfloat16) * -2.0
        e2_ref[...] = jnp.sum(e * e, axis=1)[None, :]
        acc_ref[0] = 0.0

    z = z_ref[...]
    zh = z.astype(jnp.bfloat16)
    z2b = jnp.broadcast_to(jnp.sum(z * z, axis=1, keepdims=True), (BM, 128))
    iota = lax.broadcasted_iota(jnp.int32, (1, 128), 1).astype(jnp.float32)

    runv = jnp.full((BM, 128), jnp.inf, jnp.float32)
    runi = jnp.zeros((BM, 128), jnp.float32)
    for c in range(N_CHUNKS):
        eh_blk = eh_ref[c * BN:(c + 1) * BN, :]
        mm2 = lax.dot_general(zh, eh_blk, (((1,), (1,)), ((), ())),
                              preferred_element_type=jnp.float32)
        for v in range(BN // 128):
            lo = v * 128
            e2v = e2_ref[0, c * BN + lo:c * BN + lo + 128]
            dv = (z2b + e2v[None, :]) + mm2[:, lo:lo + 128]
            iv = iota + float(c * BN + lo)
            m = dv < runv
            runv = jnp.where(m, dv, runv)
            runi = jnp.where(m, jnp.broadcast_to(iv, (BM, 128)), runi)

    lmin = jnp.min(runv, axis=1)
    mini = jnp.min(jnp.where(runv == lmin[:, None], runi, float(NB)), axis=1)
    idx_ref[...] = mini.astype(jnp.int32).reshape(1, 1, BM)
    acc_ref[0] += jnp.sum(lmin)

    @pl.when(pid == GRID_M - 1)
    def _fin():
        loss_ref[0] = acc_ref[0] * ((1.0 + COMMIT) / (BATCH * LATENT))


def _dist_argmin(z, e):
    return pl.pallas_call(
        _dist_argmin_kernel,
        grid=(GRID_M,),
        in_specs=[
            pl.BlockSpec((BM, WORD), lambda i: (i, 0)),
            pl.BlockSpec((NB, WORD), lambda i: (0, 0)),
        ],
        out_specs=[
            pl.BlockSpec((1, 1, BM), lambda i: (i, 0, 0)),
            pl.BlockSpec(memory_space=pltpu.SMEM, block_shape=(1,),
                         index_map=lambda i: (0,)),
        ],
        out_shape=[
            jax.ShapeDtypeStruct((GRID_M, 1, BM), jnp.int32),
            jax.ShapeDtypeStruct((1,), jnp.float32),
        ],
        scratch_shapes=[
            pltpu.VMEM((NB, WORD), jnp.bfloat16),
            pltpu.VMEM((1, NB), jnp.float32),
            pltpu.SMEM((1,), jnp.float32),
        ],
    )(z, e)


_SC_INFO = plsc.get_sparse_core_info()
_NC, _NS = _SC_INFO.num_cores, _SC_INFO.num_subcores
NW = _NC * _NS
BPW = M // NW
CH = 128
NCH = BPW // CH
NBUF = 2


def _gather_body(table_hbm, idx_hbm, out_hbm, idx_v, bufs, sems):
    wid = lax.axis_index("s") * _NC + lax.axis_index("c")
    base = wid * BPW
    pltpu.sync_copy(idx_hbm.at[pl.ds(base, BPW)], idx_v)

    copies = [None] * NBUF
    for b in range(NBUF):
        copies[b] = pltpu.async_copy(
            table_hbm.at[idx_v.at[pl.ds(b * CH, CH)]], bufs.at[b], sems.at[b])
    for c in range(NCH):
        s = c % NBUF
        copies[s].wait()
        pltpu.sync_copy(bufs.at[s], out_hbm.at[pl.ds(base + c * CH, CH)])
        nxt = c + NBUF
        if nxt < NCH:
            copies[s] = pltpu.async_copy(
                table_hbm.at[idx_v.at[pl.ds(nxt * CH, CH)]], bufs.at[s],
                sems.at[s])


def _sc_gather(emb, idx):
    mesh = plsc.VectorSubcoreMesh(core_axis_name="c", subcore_axis_name="s")
    k = functools.partial(
        pl.kernel,
        mesh=mesh,
        out_type=jax.ShapeDtypeStruct((M, WORD), jnp.float32),
        scratch_types=[
            pltpu.VMEM((BPW,), jnp.int32),
            pltpu.VMEM((NBUF, CH, WORD), jnp.float32),
            pltpu.SemaphoreType.DMA((NBUF,)),
        ],
    )(_gather_body)
    return k(emb, idx)


def kernel(inputs, embedding_weight):
    z_mean = inputs[0]
    z = z_mean.reshape(M, WORD)
    idx, loss = _dist_argmin(z, embedding_weight)
    z_q = _sc_gather(embedding_weight, idx.reshape(M))
    return z_q.reshape(z_mean.shape), loss[0]

# --- scband reference (transcript-rebuilt; emitter-appended) ---
"""Pipeline reference for scband-vector-quantizer1d-35304631174227 (READ-ONLY COPY).

The authoritative reference and input builder live on the scoring server;
editing this copy changes nothing except your own understanding.
"""

import jax, jax.numpy as jnp
import numpy as np

LATENT_SIZE = 1024
NB_WORD = 8192
WORD_SIZE = 256
COMMIT_VQ = 2.5


def setup_inputs(seed: int = 0) -> dict:
    key = jax.random.key(seed)
    k1, k2 = jax.random.split(key)
    # inputs[0] = z_mean, inputs[1] = z_log_var (unused in normal_vq path)
    inputs = jax.random.normal(k1, (2, 4096, 1024), dtype=jnp.float32)
    embedding_weight = jax.random.uniform(
        k2, (NB_WORD, WORD_SIZE), dtype=jnp.float32,
        minval=-1.0 / NB_WORD, maxval=1.0 / NB_WORD)
    return {"inputs": inputs, "embedding_weight": embedding_weight}


def reference(inputs, embedding_weight):
    z_mean = inputs[0]
    input_shape = z_mean.shape
    z = z_mean.reshape(-1, LATENT_SIZE // WORD_SIZE, WORD_SIZE)
    z_flattened = z.reshape(-1, WORD_SIZE)
    distances = (jnp.sum(z_flattened ** 2, axis=1, keepdims=True)
                 + jnp.sum(embedding_weight ** 2, axis=1)
                 - 2.0 * jnp.einsum('bd,dn->bn', z_flattened,
                                    jnp.transpose(embedding_weight)))
    min_encoding_indices = jnp.argmin(distances, axis=1)
    z_q = jnp.take(embedding_weight, min_encoding_indices, axis=0).reshape(z.shape)
    loss = (jnp.mean((jax.lax.stop_gradient(z_q) - z) ** 2)
            + COMMIT_VQ * jnp.mean((z_q - jax.lax.stop_gradient(z)) ** 2))
    z_q = z + jax.lax.stop_gradient(z_q - z)
    return z_q.reshape(input_shape), loss

if __name__ == "__main__":
    import jax
    _d = setup_inputs()
    print(jax.jit(kernel)(*tuple(_d.values())))

</pallas_src>

<mosaic_0001>
#map = affine_map<(d0, d1) -> (0, 0)>
#map1 = affine_map<(d0, d1) -> (0)>
module attributes {stable_mosaic.version = 14 : i64} {
  func.func @_gather_body(%arg0: i32, %arg1: i32, %arg2: memref<8192x256xf32, #tpu.memory_space<hbm>>, %arg3: memref<16384xi32, #tpu.memory_space<hbm>>, %arg4: memref<16384x256xf32, #tpu.memory_space<hbm>>, %arg5: memref<512xi32, #tpu.memory_space<vmem>>, %arg6: memref<2x128x256xf32, #tpu.memory_space<vmem>>, %arg7: memref<2x!tpu.dma_semaphore, #tpu.memory_space<semaphore_mem>>) attributes {dimension_semantics = [#tpu.dimension_semantics<core_parallel>, #tpu.dimension_semantics<subcore_parallel>], iteration_bounds = array<i64: 2, 16>, scalar_prefetch = 0 : i64, scratch_operands = 3 : i64, tpu.core_type = #tpu.core_type<sc_vector_subcore>, window_params = [{transform_indices = #map}, {transform_indices = #map1}, {transform_indices = #map}]} {
    %mul3A = arith.constant 2 : i32
    %mul3A_0 = arith.muli %arg1, %mul3A : i32
    %add3A = arith.addi %mul3A_0, %arg0 : i32
    %mul3A_1 = arith.constant 512 : i32
    %mul3A_2 = arith.muli %add3A, %mul3A_1 : i32
    "tpu.region"() ({
      %run_scoped3A_116 = tpu.sem_alloc : memref<!tpu.dma_semaphore, #tpu.memory_space<semaphore_mem>>
      %dma_start3A_117 = tpu.memref_slice %arg3[%mul3A_2] : memref<16384xi32, #tpu.memory_space<hbm>> -> memref<512xi32, #tpu.memory_space<hbm>>
      %dma_start3A_118 = tpu.memref_slice %arg3[%mul3A_2] : memref<16384xi32, #tpu.memory_space<hbm>> -> memref<512xi32, #tpu.memory_space<hbm>>
      tpu.enqueue_dma source(%dma_start3A_118 : memref<512xi32, #tpu.memory_space<hbm>>) target(%arg5 : memref<512xi32, #tpu.memory_space<vmem>>) target_semaphore(%run_scoped3A_116 : memref<!tpu.dma_semaphore, #tpu.memory_space<semaphore_mem>>)
      %dma_wait3A_119 = tpu.memref_slice %arg3[%mul3A_2] : memref<16384xi32, #tpu.memory_space<hbm>> -> memref<512xi32, #tpu.memory_space<hbm>>
      %dma_wait3A_120 = tpu.memref_slice %arg3[%mul3A_2] : memref<16384xi32, #tpu.memory_space<hbm>> -> memref<512xi32, #tpu.memory_space<hbm>>
      tpu.wait_dma2 semaphore(%run_scoped3A_116 : memref<!tpu.dma_semaphore, #tpu.memory_space<semaphore_mem>>) src(%dma_wait3A_120 : memref<512xi32, #tpu.memory_space<hbm>>) dst(%arg5 : memref<512xi32, #tpu.memory_space<vmem>>)
      tpu.yield
    }) : () -> ()
    %dma_start3A = arith.constant 0 : i32
    %dma_start3A_3 = arith.constant 0 : i32
    %dma_start3A_4 = arith.constant 0 : i32
    %dma_start3A_5 = arith.constant 0 : i32
    %dma_start3A_6 = tpu.memref_slice %arg6[%dma_start3A, %dma_start3A_4, %dma_start3A_5] : memref<2x128x256xf32, #tpu.memory_space<vmem>> -> memref<1x128x256xf32, #tpu.memory_space<vmem>>
    %dma_start3A_7 = tpu.memref_squeeze %dma_start3A_6 : memref<1x128x256xf32, #tpu.memory_space<vmem>> -> memref<128x256xf32, #tpu.memory_space<vmem>>
    %dma_start3A_8 = arith.constant 0 : i32
    %dma_start3A_9 = tpu.memref_slice %arg5[%dma_start3A_8] : memref<512xi32, #tpu.memory_space<vmem>> -> memref<128xi32, #tpu.memory_space<vmem>>
    %dma_start3A_10 = arith.constant 0 : i32
    %dma_start3A_11 = arith.constant 0 : i32
    %dma_start3A_12 = tpu.memref_slice %arg2[%dma_start3A_10, %dma_start3A_11] : memref<8192x256xf32, #tpu.memory_space<hbm>> -> memref<8192x256xf32, #tpu.memory_space<hbm>>
    %dma_start3A_13 = tpu.memref_slice %arg7[%dma_start3A_3] : memref<2x!tpu.dma_semaphore, #tpu.memory_space<semaphore_mem>> -> memref<1x!tpu.dma_semaphore, #tpu.memory_space<semaphore_mem>>
    %dma_start3A_14 = tpu.memref_squeeze %dma_start3A_13 : memref<1x!tpu.dma_semaphore, #tpu.memory_space<semaphore_mem>> -> memref<!tpu.dma_semaphore, #tpu.memory_space<semaphore_mem>>
    tpu.enqueue_indirect_dma source(%dma_start3A_12 : memref<8192x256xf32, #tpu.memory_space<hbm>>) target(%dma_start3A_7 : memref<128x256xf32, #tpu.memory_space<vmem>>) offsets(%dma_start3A_9 : memref<128xi32, #tpu.memory_space<vmem>>) semaphore(%dma_start3A_14 : memref<!tpu.dma_semaphore, #tpu.memory_space<semaphore_mem>>)
    %dma_start3A_15 = arith.constant 1 : i32
    %dma_start3A_16 = arith.constant 1 : i32
    %dma_start3A_17 = arith.constant 0 : i32
    %dma_start3A_18 = arith.constant 0 : i32
    %dma_start3A_19 = tpu.memref_slice %arg6[%dma_start3A_15, %dma_start3A_17, %dma_start3A_18] : memref<2x128x256xf32, #tpu.memory_space<vmem>> -> memref<1x128x256xf32, #tpu.memory_space<vmem>>
    %dma_start3A_20 = tpu.memref_squeeze %dma_start3A_19 : memref<1x128x256xf32, #tpu.memory_space<vmem>> -> memref<128x256xf32, #tpu.memory_space<vmem>>
    %dma_start3A_21 = arith.constant 128 : i32
    %dma_start3A_22 = tpu.memref_slice %arg5[%dma_start3A_21] : memref<512xi32, #tpu.memory_space<vmem>> -> memref<128xi32, #tpu.memory_space<vmem>>
    %dma_start3A_23 = arith.constant 0 : i32
    %dma_start3A_24 = arith.constant 0 : i32
    %dma_start3A_25 = tpu.memref_slice %arg2[%dma_start3A_23, %dma_start3A_24] : memref<8192x256xf32, #tpu.memory_space<hbm>> -> memref<8192x256xf32, #tpu.memory_space<hbm>>
    %dma_start3A_26 = tpu.memref_slice %arg7[%dma_start3A_16] : memref<2x!tpu.dma_semaphore, #tpu.memory_space<semaphore_mem>> -> memref<1x!tpu.dma_semaphore, #tpu.memory_space<semaphore_mem>>
    %dma_start3A_27 = tpu.memref_squeeze %dma_start3A_26 : memref<1x!tpu.dma_semaphore, #tpu.memory_space<semaphore_mem>> -> memref<!tpu.dma_semaphore, #tpu.memory_space<semaphore_mem>>
    tpu.enqueue_indirect_dma source(%dma_start3A_25 : memref<8192x256xf32, #tpu.memory_space<hbm>>) target(%dma_start3A_20 : memref<128x256xf32, #tpu.memory_space<vmem>>) offsets(%dma_start3A_22 : memref<128xi32, #tpu.memory_space<vmem>>) semaphore(%dma_start3A_27 : memref<!tpu.dma_semaphore, #tpu.memory_space<semaphore_mem>>)
    %dma_wait3A = arith.constant 0 : i32
    %dma_wait3A_28 = arith.constant 0 : i32
    %dma_wait3A_29 = arith.constant 0 : i32
    %dma_wait3A_30 = arith.constant 0 : i32
    %dma_wait3A_31 = tpu.memref_slice %arg6[%dma_wait3A, %dma_wait3A_29, %dma_wait3A_30] : memref<2x128x256xf32, #tpu.memory_space<vmem>> -> memref<1x128x256xf32, #tpu.memory_space<vmem>>
    %dma_wait3A_32 = tpu.memref_squeeze %dma_wait3A_31 : memref<1x128x256xf32, #tpu.memory_space<vmem>> -> memref<128x256xf32, #tpu.memory_space<vmem>>
    %dma_wait3A_33 = arith.constant 0 : i32
    %dma_wait3A_34 = tpu.memref_slice %arg5[%dma_wait3A_33] : memref<512xi32, #tpu.memory_space<vmem>> -> memref<128xi32, #tpu.memory_space<vmem>>
    %dma_wait3A_35 = arith.constant 0 : i32
    %dma_wait3A_36 = arith.constant 0 : i32
    %dma_wait3A_37 = tpu.memref_slice %arg2[%dma_wait3A_35, %dma_wait3A_36] : memref<8192x256xf32, #tpu.memory_space<hbm>> -> memref<8192x256xf32, #tpu.memory_space<hbm>>
    %dma_wait3A_38 = tpu.memref_slice %arg7[%dma_wait3A_28] : memref<2x!tpu.dma_semaphore, #tpu.memory_space<semaphore_mem>> -> memref<1x!tpu.dma_semaphore, #tpu.memory_space<semaphore_mem>>
    %dma_wait3A_39 = tpu.memref_squeeze %dma_wait3A_38 : memref<1x!tpu.dma_semaphore, #tpu.memory_space<semaphore_mem>> -> memref<!tpu.dma_semaphore, #tpu.memory_space<semaphore_mem>>
    tpu.wait_indirect_dma semaphore(%dma_wait3A_39 : memref<!tpu.dma_semaphore, #tpu.memory_space<semaphore_mem>>) src(%dma_wait3A_37 : memref<8192x256xf32, #tpu.memory_space<hbm>>) dst(%dma_wait3A_32 : memref<128x256xf32, #tpu.memory_space<vmem>>)
    %add3A_40 = arith.constant 0 : i32
    %add3A_41 = arith.addi %mul3A_2, %add3A_40 : i32
    %run_scoped3A = arith.constant 0 : i32
    "tpu.region"() ({
      %run_scoped3A_116 = tpu.sem_alloc : memref<!tpu.dma_semaphore, #tpu.memory_space<semaphore_mem>>
      %dma_start3A_117 = arith.constant 0 : i32
      %dma_start3A_118 = arith.constant 0 : i32
      %dma_start3A_119 = tpu.memref_slice %arg6[%run_scoped3A, %dma_start3A_117, %dma_start3A_118] : memref<2x128x256xf32, #tpu.memory_space<vmem>> -> memref<1x128x256xf32, #tpu.memory_space<vmem>>
      %dma_start3A_120 = tpu.memref_squeeze %dma_start3A_119 : memref<1x128x256xf32, #tpu.memory_space<vmem>> -> memref<128x256xf32, #tpu.memory_space<vmem>>
      %dma_start3A_121 = arith.constant 0 : i32
      %dma_start3A_122 = tpu.memref_slice %arg4[%add3A_41, %dma_start3A_121] : memref<16384x256xf32, #tpu.memory_space<hbm>> -> memref<128x256xf32, #tpu.memory_space<hbm>>
      %dma_start3A_123 = arith.constant 0 : i32
      %dma_start3A_124 = tpu.memref_slice %arg4[%add3A_41, %dma_start3A_123] : memref<16384x256xf32, #tpu.memory_space<hbm>> -> memref<128x256xf32, #tpu.memory_space<hbm>>
      %dma_start3A_125 = arith.constant 0 : i32
      %dma_start3A_126 = arith.constant 0 : i32
      %dma_start3A_127 = tpu.memref_slice %arg6[%run_scoped3A, %dma_start3A_125, %dma_start3A_126] : memref<2x128x256xf32, #tpu.memory_space<vmem>> -> memref<1x128x256xf32, #tpu.memory_space<vmem>>
      %dma_start3A_128 = tpu.memref_squeeze %dma_start3A_127 : memref<1x128x256xf32, #tpu.memory_space<vmem>> -> memref<128x256xf32, #tpu.memory_space<vmem>>
      tpu.enqueue_dma source(%dma_start3A_128 : memref<128x256xf32, #tpu.memory_space<vmem>>) target(%dma_start3A_124 : memref<128x256xf32, #tpu.memory_space<hbm>>) target_semaphore(%run_scoped3A_116 : memref<!tpu.dma_semaphore, #tpu.memory_space<semaphore_mem>>)
      %dma_wait3A_129 = arith.constant 0 : i32
      %dma_wait3A_130 = arith.constant 0 : i32
      %dma_wait3A_131 = tpu.memref_slice %arg6[%run_scoped3A, %dma_wait3A_129, %dma_wait3A_130] : memref<2x128x256xf32, #tpu.memory_space<vmem>> -> memref<1x128x256xf32, #tpu.memory_space<vmem>>
      %dma_wait3A_132 = tpu.memref_squeeze %dma_wait3A_131 : memref<1x128x256xf32, #tpu.memory_space<vmem>> -> memref<128x256xf32, #tpu.memory_space<vmem>>
      %dma_wait3A_133 = arith.constant 0 : i32
      %dma_wait3A_134 = tpu.memref_slice %arg4[%add3A_41, %dma_wait3A_133] : memref<16384x256xf32, #tpu.memory_space<hbm>> -> memref<128x256xf32, #tpu.memory_space<hbm>>
      %dma_wait3A_135 = arith.constant 0 : i32
      %dma_wait3A_136 = tpu.memref_slice %arg4[%add3A_41, %dma_wait3A_135] : memref<16384x256xf32, #tpu.memory_space<hbm>> -> memref<128x256xf32, #tpu.memory_space<hbm>>
      %dma_wait3A_137 = arith.constant 0 : i32
      %dma_wait3A_138 = arith.constant 0 : i32
      %dma_wait3A_139 = tpu.memref_slice %arg6[%run_scoped3A, %dma_wait3A_137, %dma_wait3A_138] : memref<2x128x256xf32, #tpu.memory_space<vmem>> -> memref<1x128x256xf32, #tpu.memory_space<vmem>>
      %dma_wait3A_140 = tpu.memref_squeeze %dma_wait3A_139 : memref<1x128x256xf32, #tpu.memory_space<vmem>> -> memref<128x256xf32, #tpu.memory_space<vmem>>
      tpu.wait_dma2 semaphore(%run_scoped3A_116 : memref<!tpu.dma_semaphore, #tpu.memory_space<semaphore_mem>>) src(%dma_wait3A_140 : memref<128x256xf32, #tpu.memory_space<vmem>>) dst(%dma_wait3A_136 : memref<128x256xf32, #tpu.memory_space<hbm>>)
      tpu.yield
    }) : () -> ()
    %dma_start3A_42 = arith.constant 0 : i32
    %dma_start3A_43 = arith.constant 0 : i32
    %dma_start3A_44 = arith.constant 0 : i32
    %dma_start3A_45 = arith.constant 0 : i32
    %dma_start3A_46 = tpu.memref_slice %arg6[%dma_start3A_42, %dma_start3A_44, %dma_start3A_45] : memref<2x128x256xf32, #tpu.memory_space<vmem>> -> memref<1x128x256xf32, #tpu.memory_space<vmem>>
    %dma_start3A_47 = tpu.memref_squeeze %dma_start3A_46 : memref<1x128x256xf32, #tpu.memory_space<vmem>> -> memref<128x256xf32, #tpu.memory_space<vmem>>
    %dma_start3A_48 = arith.constant 256 : i32
    %dma_start3A_49 = tpu.memref_slice %arg5[%dma_start3A_48] : memref<512xi32, #tpu.memory_space<vmem>> -> memref<128xi32, #tpu.memory_space<vmem>>
    %dma_start3A_50 = arith.constant 0 : i32
    %dma_start3A_51 = arith.constant 0 : i32
    %dma_start3A_52 = tpu.memref_slice %arg2[%dma_start3A_50, %dma_start3A_51] : memref<8192x256xf32, #tpu.memory_space<hbm>> -> memref<8192x256xf32, #tpu.memory_space<hbm>>
    %dma_start3A_53 = tpu.memref_slice %arg7[%dma_start3A_43] : memref<2x!tpu.dma_semaphore, #tpu.memory_space<semaphore_mem>> -> memref<1x!tpu.dma_semaphore, #tpu.memory_space<semaphore_mem>>
    %dma_start3A_54 = tpu.memref_squeeze %dma_start3A_53 : memref<1x!tpu.dma_semaphore, #tpu.memory_space<semaphore_mem>> -> memref<!tpu.dma_semaphore, #tpu.memory_space<semaphore_mem>>
    tpu.enqueue_indirect_dma source(%dma_start3A_52 : memref<8192x256xf32, #tpu.memory_space<hbm>>) target(%dma_start3A_47 : memref<128x256xf32, #tpu.memory_space<vmem>>) offsets(%dma_start3A_49 : memref<128xi32, #tpu.memory_space<vmem>>) semaphore(%dma_start3A_54 : memref<!tpu.dma_semaphore, #tpu.memory_space<semaphore_mem>>)
    %dma_wait3A_55 = arith.constant 1 : i32
    %dma_wait3A_56 = arith.constant 1 : i32
    %dma_wait3A_57 = arith.constant 0 : i32
    %dma_wait3A_58 = arith.constant 0 : i32
    %dma_wait3A_59 = tpu.memref_slice %arg6[%dma_wait3A_55, %dma_wait3A_57, %dma_wait3A_58] : memref<2x128x256xf32, #tpu.memory_space<vmem>> -> memref<1x128x256xf32, #tpu.memory_space<vmem>>
    %dma_wait3A_60 = tpu.memref_squeeze %dma_wait3A_59 : memref<1x128x256xf32, #tpu.memory_space<vmem>> -> memref<128x256xf32, #tpu.memory_space<vmem>>
    %dma_wait3A_61 = arith.constant 128 : i32
    %dma_wait3A_62 = tpu.memref_slice %arg5[%dma_wait3A_61] : memref<512xi32, #tpu.memory_space<vmem>> -> memref<128xi32, #tpu.memory_space<vmem>>
    %dma_wait3A_63 = arith.constant 0 : i32
    %dma_wait3A_64 = arith.constant 0 : i32
    %dma_wait3A_65 = tpu.memref_slice %arg2[%dma_wait3A_63, %dma_wait3A_64] : memref<8192x256xf32, #tpu.memory_space<hbm>> -> memref<8192x256xf32, #tpu.memory_space<hbm>>
    %dma_wait3A_66 = tpu.memref_slice %arg7[%dma_wait3A_56] : memref<2x!tpu.dma_semaphore, #tpu.memory_space<semaphore_mem>> -> memref<1x!tpu.dma_semaphore, #tpu.memory_space<semaphore_mem>>
    %dma_wait3A_67 = tpu.memref_squeeze %dma_wait3A_66 : memref<1x!tpu.dma_semaphore, #tpu.memory_space<semaphore_mem>> -> memref<!tpu.dma_semaphore, #tpu.memory_space<semaphore_mem>>
    tpu.wait_indirect_dma semaphore(%dma_wait3A_67 : memref<!tpu.dma_semaphore, #tpu.memory_space<semaphore_mem>>) src(%dma_wait3A_65 : memref<8192x256xf32, #tpu.memory_space<hbm>>) dst(%dma_wait3A_60 : memref<128x256xf32, #tpu.memory_space<vmem>>)
    %add3A_68 = arith.constant 128 : i32
    %add3A_69 = arith.addi %mul3A_2, %add3A_68 : i32
    %run_scoped3A_70 = arith.constant 1 : i32
    "tpu.region"() ({
      %run_scoped3A_116 = tpu.sem_alloc : memref<!tpu.dma_semaphore, #tpu.memory_space<semaphore_mem>>
      %dma_start3A_117 = arith.constant 0 : i32
      %dma_start3A_118 = arith.constant 0 : i32
      %dma_start3A_119 = tpu.memref_slice %arg6[%run_scoped3A_70, %dma_start3A_117, %dma_start3A_118] : memref<2x128x256xf32, #tpu.memory_space<vmem>> -> memref<1x128x256xf32, #tpu.memory_space<vmem>>
      %dma_start3A_120 = tpu.memref_squeeze %dma_start3A_119 : memref<1x128x256xf32, #tpu.memory_space<vmem>> -> memref<128x256xf32, #tpu.memory_space<vmem>>
      %dma_start3A_121 = arith.constant 0 : i32
      %dma_start3A_122 = tpu.memref_slice %arg4[%add3A_69, %dma_start3A_121] : memref<16384x256xf32, #tpu.memory_space<hbm>> -> memref<128x256xf32, #tpu.memory_space<hbm>>
      %dma_start3A_123 = arith.constant 0 : i32
      %dma_start3A_124 = tpu.memref_slice %arg4[%add3A_69, %dma_start3A_123] : memref<16384x256xf32, #tpu.memory_space<hbm>> -> memref<128x256xf32, #tpu.memory_space<hbm>>
      %dma_start3A_125 = arith.constant 0 : i32
      %dma_start3A_126 = arith.constant 0 : i32
      %dma_start3A_127 = tpu.memref_slice %arg6[%run_scoped3A_70, %dma_start3A_125, %dma_start3A_126] : memref<2x128x256xf32, #tpu.memory_space<vmem>> -> memref<1x128x256xf32, #tpu.memory_space<vmem>>
      %dma_start3A_128 = tpu.memref_squeeze %dma_start3A_127 : memref<1x128x256xf32, #tpu.memory_space<vmem>> -> memref<128x256xf32, #tpu.memory_space<vmem>>
      tpu.enqueue_dma source(%dma_start3A_128 : memref<128x256xf32, #tpu.memory_space<vmem>>) target(%dma_start3A_124 : memref<128x256xf32, #tpu.memory_space<hbm>>) target_semaphore(%run_scoped3A_116 : memref<!tpu.dma_semaphore, #tpu.memory_space<semaphore_mem>>)
      %dma_wait3A_129 = arith.constant 0 : i32
      %dma_wait3A_130 = arith.constant 0 : i32
      %dma_wait3A_131 = tpu.memref_slice %arg6[%run_scoped3A_70, %dma_wait3A_129, %dma_wait3A_130] : memref<2x128x256xf32, #tpu.memory_space<vmem>> -> memref<1x128x256xf32, #tpu.memory_space<vmem>>
      %dma_wait3A_132 = tpu.memref_squeeze %dma_wait3A_131 : memref<1x128x256xf32, #tpu.memory_space<vmem>> -> memref<128x256xf32, #tpu.memory_space<vmem>>
      %dma_wait3A_133 = arith.constant 0 : i32
      %dma_wait3A_134 = tpu.memref_slice %arg4[%add3A_69, %dma_wait3A_133] : memref<16384x256xf32, #tpu.memory_space<hbm>> -> memref<128x256xf32, #tpu.memory_space<hbm>>
      %dma_wait3A_135 = arith.constant 0 : i32
      %dma_wait3A_136 = tpu.memref_slice %arg4[%add3A_69, %dma_wait3A_135] : memref<16384x256xf32, #tpu.memory_space<hbm>> -> memref<128x256xf32, #tpu.memory_space<hbm>>
      %dma_wait3A_137 = arith.constant 0 : i32
      %dma_wait3A_138 = arith.constant 0 : i32
      %dma_wait3A_139 = tpu.memref_slice %arg6[%run_scoped3A_70, %dma_wait3A_137, %dma_wait3A_138] : memref<2x128x256xf32, #tpu.memory_space<vmem>> -> memref<1x128x256xf32, #tpu.memory_space<vmem>>
      %dma_wait3A_140 = tpu.memref_squeeze %dma_wait3A_139 : memref<1x128x256xf32, #tpu.memory_space<vmem>> -> memref<128x256xf32, #tpu.memory_space<vmem>>
      tpu.wait_dma2 semaphore(%run_scoped3A_116 : memref<!tpu.dma_semaphore, #tpu.memory_space<semaphore_mem>>) src(%dma_wait3A_140 : memref<128x256xf32, #tpu.memory_space<vmem>>) dst(%dma_wait3A_136 : memref<128x256xf32, #tpu.memory_space<hbm>>)
      tpu.yield
    }) : () -> ()
    %dma_start3A_71 = arith.constant 1 : i32
    %dma_start3A_72 = arith.constant 1 : i32
    %dma_start3A_73 = arith.constant 0 : i32
    %dma_start3A_74 = arith.constant 0 : i32
    %dma_start3A_75 = tpu.memref_slice %arg6[%dma_start3A_71, %dma_start3A_73, %dma_start3A_74] : memref<2x128x256xf32, #tpu.memory_space<vmem>> -> memref<1x128x256xf32, #tpu.memory_space<vmem>>
    %dma_start3A_76 = tpu.memref_squeeze %dma_start3A_75 : memref<1x128x256xf32, #tpu.memory_space<vmem>> -> memref<128x256xf32, #tpu.memory_space<vmem>>
    %dma_start3A_77 = arith.constant 384 : i32
    %dma_start3A_78 = tpu.memref_slice %arg5[%dma_start3A_77] : memref<512xi32, #tpu.memory_space<vmem>> -> memref<128xi32, #tpu.memory_space<vmem>>
    %dma_start3A_79 = arith.constant 0 : i32
    %dma_start3A_80 = arith.constant 0 : i32
    %dma_start3A_81 = tpu.memref_slice %arg2[%dma_start3A_79, %dma_start3A_80] : memref<8192x256xf32, #tpu.memory_space<hbm>> -> memref<8192x256xf32, #tpu.memory_space<hbm>>
    %dma_start3A_82 = tpu.memref_slice %arg7[%dma_start3A_72] : memref<2x!tpu.dma_semaphore, #tpu.memory_space<semaphore_mem>> -> memref<1x!tpu.dma_semaphore, #tpu.memory_space<semaphore_mem>>
    %dma_start3A_83 = tpu.memref_squeeze %dma_start3A_82 : memref<1x!tpu.dma_semaphore, #tpu.memory_space<semaphore_mem>> -> memref<!tpu.dma_semaphore, #tpu.memory_space<semaphore_mem>>
    tpu.enqueue_indirect_dma source(%dma_start3A_81 : memref<8192x256xf32, #tpu.memory_space<hbm>>) target(%dma_start3A_76 : memref<128x256xf32, #tpu.memory_space<vmem>>) offsets(%dma_start3A_78 : memref<128xi32, #tpu.memory_space<vmem>>) semaphore(%dma_start3A_83 : memref<!tpu.dma_semaphore, #tpu.memory_space<semaphore_mem>>)
    %dma_wait3A_84 = arith.constant 0 : i32
    %dma_wait3A_85 = arith.constant 0 : i32
    %dma_wait3A_86 = arith.constant 0 : i32
    %dma_wait3A_87 = arith.constant 0 : i32
    %dma_wait3A_88 = tpu.memref_slice %arg6[%dma_wait3A_84, %dma_wait3A_86, %dma_wait3A_87] : memref<2x128x256xf32, #tpu.memory_space<vmem>> -> memref<1x128x256xf32, #tpu.memory_space<vmem>>
    %dma_wait3A_89 = tpu.memref_squeeze %dma_wait3A_88 : memref<1x128x256xf32, #tpu.memory_space<vmem>> -> memref<128x256xf32, #tpu.memory_space<vmem>>
    %dma_wait3A_90 = arith.constant 256 : i32
    %dma_wait3A_91 = tpu.memref_slice %arg5[%dma_wait3A_90] : memref<512xi32, #tpu.memory_space<vmem>> -> memref<128xi32, #tpu.memory_space<vmem>>
    %dma_wait3A_92 = arith.constant 0 : i32
    %dma_wait3A_93 = arith.constant 0 : i32
    %dma_wait3A_94 = tpu.memref_slice %arg2[%dma_wait3A_92, %dma_wait3A_93] : memref<8192x256xf32, #tpu.memory_space<hbm>> -> memref<8192x256xf32, #tpu.memory_space<hbm>>
    %dma_wait3A_95 = tpu.memref_slice %arg7[%dma_wait3A_85] : memref<2x!tpu.dma_semaphore, #tpu.memory_space<semaphore_mem>> -> memref<1x!tpu.dma_semaphore, #tpu.memory_space<semaphore_mem>>
    %dma_wait3A_96 = tpu.memref_squeeze %dma_wait3A_95 : memref<1x!tpu.dma_semaphore, #tpu.memory_space<semaphore_mem>> -> memref<!tpu.dma_semaphore, #tpu.memory_space<semaphore_mem>>
    tpu.wait_indirect_dma semaphore(%dma_wait3A_96 : memref<!tpu.dma_semaphore, #tpu.memory_space<semaphore_mem>>) src(%dma_wait3A_94 : memref<8192x256xf32, #tpu.memory_space<hbm>>) dst(%dma_wait3A_89 : memref<128x256xf32, #tpu.memory_space<vmem>>)
    %add3A_97 = arith.constant 256 : i32
    %add3A_98 = arith.addi %mul3A_2, %add3A_97 : i32
    %run_scoped3A_99 = arith.constant 0 : i32
    "tpu.region"() ({
      %run_scoped3A_116 = tpu.sem_alloc : memref<!tpu.dma_semaphore, #tpu.memory_space<semaphore_mem>>
      %dma_start3A_117 = arith.constant 0 : i32
      %dma_start3A_118 = arith.constant 0 : i32
      %dma_start3A_119 = tpu.memref_slice %arg6[%run_scoped3A_99, %dma_start3A_117, %dma_start3A_118] : memref<2x128x256xf32, #tpu.memory_space<vmem>> -> memref<1x128x256xf32, #tpu.memory_space<vmem>>
      %dma_start3A_120 = tpu.memref_squeeze %dma_start3A_119 : memref<1x128x256xf32, #tpu.memory_space<vmem>> -> memref<128x256xf32, #tpu.memory_space<vmem>>
      %dma_start3A_121 = arith.constant 0 : i32
      %dma_start3A_122 = tpu.memref_slice %arg4[%add3A_98, %dma_start3A_121] : memref<16384x256xf32, #tpu.memory_space<hbm>> -> memref<128x256xf32, #tpu.memory_space<hbm>>
      %dma_start3A_123 = arith.constant 0 : i32
      %dma_start3A_124 = tpu.memref_slice %arg4[%add3A_98, %dma_start3A_123] : memref<16384x256xf32, #tpu.memory_space<hbm>> -> memref<128x256xf32, #tpu.memory_space<hbm>>
      %dma_start3A_125 = arith.constant 0 : i32
      %dma_start3A_126 = arith.constant 0 : i32
      %dma_start3A_127 = tpu.memref_slice %arg6[%run_scoped3A_99, %dma_start3A_125, %dma_start3A_126] : memref<2x128x256xf32, #tpu.memory_space<vmem>> -> memref<1x128x256xf32, #tpu.memory_space<vmem>>
      %dma_start3A_128 = tpu.memref_squeeze %dma_start3A_127 : memref<1x128x256xf32, #tpu.memory_space<vmem>> -> memref<128x256xf32, #tpu.memory_space<vmem>>
      tpu.enqueue_dma source(%dma_start3A_128 : memref<128x256xf32, #tpu.memory_space<vmem>>) target(%dma_start3A_124 : memref<128x256xf32, #tpu.memory_space<hbm>>) target_semaphore(%run_scoped3A_116 : memref<!tpu.dma_semaphore, #tpu.memory_space<semaphore_mem>>)
      %dma_wait3A_129 = arith.constant 0 : i32
      %dma_wait3A_130 = arith.constant 0 : i32
      %dma_wait3A_131 = tpu.memref_slice %arg6[%run_scoped3A_99, %dma_wait3A_129, %dma_wait3A_130] : memref<2x128x256xf32, #tpu.memory_space<vmem>> -> memref<1x128x256xf32, #tpu.memory_space<vmem>>
      %dma_wait3A_132 = tpu.memref_squeeze %dma_wait3A_131 : memref<1x128x256xf32, #tpu.memory_space<vmem>> -> memref<128x256xf32, #tpu.memory_space<vmem>>
      %dma_wait3A_133 = arith.constant 0 : i32
      %dma_wait3A_134 = tpu.memref_slice %arg4[%add3A_98, %dma_wait3A_133] : memref<16384x256xf32, #tpu.memory_space<hbm>> -> memref<128x256xf32, #tpu.memory_space<hbm>>
      %dma_wait3A_135 = arith.constant 0 : i32
      %dma_wait3A_136 = tpu.memref_slice %arg4[%add3A_98, %dma_wait3A_135] : memref<16384x256xf32, #tpu.memory_space<hbm>> -> memref<128x256xf32, #tpu.memory_space<hbm>>
      %dma_wait3A_137 = arith.constant 0 : i32
      %dma_wait3A_138 = arith.constant 0 : i32
      %dma_wait3A_139 = tpu.memref_slice %arg6[%run_scoped3A_99, %dma_wait3A_137, %dma_wait3A_138] : memref<2x128x256xf32, #tpu.memory_space<vmem>> -> memref<1x128x256xf32, #tpu.memory_space<vmem>>
      %dma_wait3A_140 = tpu.memref_squeeze %dma_wait3A_139 : memref<1x128x256xf32, #tpu.memory_space<vmem>> -> memref<128x256xf32, #tpu.memory_space<vmem>>
      tpu.wait_dma2 semaphore(%run_scoped3A_116 : memref<!tpu.dma_semaphore, #tpu.memory_space<semaphore_mem>>) src(%dma_wait3A_140 : memref<128x256xf32, #tpu.memory_space<vmem>>) dst(%dma_wait3A_136 : memref<128x256xf32, #tpu.memory_space<hbm>>)
      tpu.yield
    }) : () -> ()
    %dma_wait3A_100 = arith.constant 1 : i32
    %dma_wait3A_101 = arith.constant 1 : i32
    %dma_wait3A_102 = arith.constant 0 : i32
    %dma_wait3A_103 = arith.constant 0 : i32
    %dma_wait3A_104 = tpu.memref_slice %arg6[%dma_wait3A_100, %dma_wait3A_102, %dma_wait3A_103] : memref<2x128x256xf32, #tpu.memory_space<vmem>> -> memref<1x128x256xf32, #tpu.memory_space<vmem>>
    %dma_wait3A_105 = tpu.memref_squeeze %dma_wait3A_104 : memref<1x128x256xf32, #tpu.memory_space<vmem>> -> memref<128x256xf32, #tpu.memory_space<vmem>>
    %dma_wait3A_106 = arith.constant 384 : i32
    %dma_wait3A_107 = tpu.memref_slice %arg5[%dma_wait3A_106] : memref<512xi32, #tpu.memory_space<vmem>> -> memref<128xi32, #tpu.memory_space<vmem>>
    %dma_wait3A_108 = arith.constant 0 : i32
    %dma_wait3A_109 = arith.constant 0 : i32
    %dma_wait3A_110 = tpu.memref_slice %arg2[%dma_wait3A_108, %dma_wait3A_109] : memref<8192x256xf32, #tpu.memory_space<hbm>> -> memref<8192x256xf32, #tpu.memory_space<hbm>>
    %dma_wait3A_111 = tpu.memref_slice %arg7[%dma_wait3A_101] : memref<2x!tpu.dma_semaphore, #tpu.memory_space<semaphore_mem>> -> memref<1x!tpu.dma_semaphore, #tpu.memory_space<semaphore_mem>>
    %dma_wait3A_112 = tpu.memref_squeeze %dma_wait3A_111 : memref<1x!tpu.dma_semaphore, #tpu.memory_space<semaphore_mem>> -> memref<!tpu.dma_semaphore, #tpu.memory_space<semaphore_mem>>
    tpu.wait_indirect_dma semaphore(%dma_wait3A_112 : memref<!tpu.dma_semaphore, #tpu.memory_space<semaphore_mem>>) src(%dma_wait3A_110 : memref<8192x256xf32, #tpu.memory_space<hbm>>) dst(%dma_wait3A_105 : memref<128x256xf32, #tpu.memory_space<vmem>>)
    %add3A_113 = arith.constant 384 : i32
    %add3A_114 = arith.addi %mul3A_2, %add3A_113 : i32
    %run_scoped3A_115 = arith.constant 1 : i32
    "tpu.region"() ({
      %run_scoped3A_116 = tpu.sem_alloc : memref<!tpu.dma_semaphore, #tpu.memory_space<semaphore_mem>>
      %dma_start3A_117 = arith.constant 0 : i32
      %dma_start3A_118 = arith.constant 0 : i32
      %dma_start3A_119 = tpu.memref_slice %arg6[%run_scoped3A_115, %dma_start3A_117, %dma_start3A_118] : memref<2x128x256xf32, #tpu.memory_space<vmem>> -> memref<1x128x256xf32, #tpu.memory_space<vmem>>
      %dma_start3A_120 = tpu.memref_squeeze %dma_start3A_119 : memref<1x128x256xf32, #tpu.memory_space<vmem>> -> memref<128x256xf32, #tpu.memory_space<vmem>>
      %dma_start3A_121 = arith.constant 0 : i32
      %dma_start3A_122 = tpu.memref_slice %arg4[%add3A_114, %dma_start3A_121] : memref<16384x256xf32, #tpu.memory_space<hbm>> -> memref<128x256xf32, #tpu.memory_space<hbm>>
      %dma_start3A_123 = arith.constant 0 : i32
      %dma_start3A_124 = tpu.memref_slice %arg4[%add3A_114, %dma_start3A_123] : memref<16384x256xf32, #tpu.memory_space<hbm>> -> memref<128x256xf32, #tpu.memory_space<hbm>>
      %dma_start3A_125 = arith.constant 0 : i32
      %dma_start3A_126 = arith.constant 0 : i32
      %dma_start3A_127 = tpu.memref_slice %arg6[%run_scoped3A_115, %dma_start3A_125, %dma_start3A_126] : memref<2x128x256xf32, #tpu.memory_space<vmem>> -> memref<1x128x256xf32, #tpu.memory_space<vmem>>
      %dma_start3A_128 = tpu.memref_squeeze %dma_start3A_127 : memref<1x128x256xf32, #tpu.memory_space<vmem>> -> memref<128x256xf32, #tpu.memory_space<vmem>>
      tpu.enqueue_dma source(%dma_start3A_128 : memref<128x256xf32, #tpu.memory_space<vmem>>) target(%dma_start3A_124 : memref<128x256xf32, #tpu.memory_space<hbm>>) target_semaphore(%run_scoped3A_116 : memref<!tpu.dma_semaphore, #tpu.memory_space<semaphore_mem>>)
      %dma_wait3A_129 = arith.constant 0 : i32
      %dma_wait3A_130 = arith.constant 0 : i32
      %dma_wait3A_131 = tpu.memref_slice %arg6[%run_scoped3A_115, %dma_wait3A_129, %dma_wait3A_130] : memref<2x128x256xf32, #tpu.memory_space<vmem>> -> memref<1x128x256xf32, #tpu.memory_space<vmem>>
      %dma_wait3A_132 = tpu.memref_squeeze %dma_wait3A_131 : memref<1x128x256xf32, #tpu.memory_space<vmem>> -> memref<128x256xf32, #tpu.memory_space<vmem>>
      %dma_wait3A_133 = arith.constant 0 : i32
      %dma_wait3A_134 = tpu.memref_slice %arg4[%add3A_114, %dma_wait3A_133] : memref<16384x256xf32, #tpu.memory_space<hbm>> -> memref<128x256xf32, #tpu.memory_space<hbm>>
      %dma_wait3A_135 = arith.constant 0 : i32
      %dma_wait3A_136 = tpu.memref_slice %arg4[%add3A_114, %dma_wait3A_135] : memref<16384x256xf32, #tpu.memory_space<hbm>> -> memref<128x256xf32, #tpu.memory_space<hbm>>
      %dma_wait3A_137 = arith.constant 0 : i32
      %dma_wait3A_138 = arith.constant 0 : i32
      %dma_wait3A_139 = tpu.memref_slice %arg6[%run_scoped3A_115, %dma_wait3A_137, %dma_wait3A_138] : memref<2x128x256xf32, #tpu.memory_space<vmem>> -> memref<1x128x256xf32, #tpu.memory_space<vmem>>
      %dma_wait3A_140 = tpu.memref_squeeze %dma_wait3A_139 : memref<1x128x256xf32, #tpu.memory_space<vmem>> -> memref<128x256xf32, #tpu.memory_space<vmem>>
      tpu.wait_dma2 semaphore(%run_scoped3A_116 : memref<!tpu.dma_semaphore, #tpu.memory_space<semaphore_mem>>) src(%dma_wait3A_140 : memref<128x256xf32, #tpu.memory_space<vmem>>) dst(%dma_wait3A_136 : memref<128x256xf32, #tpu.memory_space<hbm>>)
      tpu.yield
    }) : () -> ()
    return
  }
}

module attributes {stable_mosaic.version = 14 : i64} {
  func.func @_dist_argmin_kernel(%arg0: i32, %arg1: memref<1024x256xf32, #tpu.memory_space<vmem>>, %arg2: memref<8192x256xf32, #tpu.memory_space<vmem>>, %arg3: memref<1x1x1024xi32, #tpu.memory_space<vmem>>, %arg4: memref<1xf32, #tpu.memory_space<smem>>, %arg5: memref<8192x256xbf16, #tpu.memory_space<vmem>>, %arg6: memref<1x8192xf32, #tpu.memory_space<vmem>>, %arg7: memref<1xf32, #tpu.memory_space<smem>>) attributes {dimension_semantics = [#tpu.dimension_semantics<arbitrary>], iteration_bounds = array<i64: 16>, scalar_prefetch = 0 : i64, scratch_operands = 3 : i64, tpu.core_type = #tpu.core_type<tc>, window_params = [{transform_indices = @transform_0, window_bounds = array<i64: 1024, 256>}, {pipeline_mode = #tpu.pipeline_mode<synchronous>, transform_indices = @transform_1, window_bounds = array<i64: 8192, 256>}, {transform_indices = @transform_2, window_bounds = array<i64: 1, 1, 1024>}, {transform_indices = @transform_3, window_bounds = array<i64: 1>}]} {
    %eq3A = arith.constant 0 : i32
    %eq3A_0 = arith.cmpi eq, %arg0, %eq3A : i32
    %convert_element_type3A = arith.extui %eq3A_0 : i1 to i32
    %cond3A = arith.constant 0 : i32
    %cond3A_1 = arith.cmpi ne, %convert_element_type3A, %cond3A : i32
    scf.if %cond3A_1 {
      %get3A_1163 = arith.constant 0 : index
      %get3A_1164 = arith.constant 0 : index
      %get3A_1165 = vector.load %arg2[%get3A_1163, %get3A_1164] : memref<8192x256xf32, #tpu.memory_space<vmem>>, vector<8192x256xf32>
      %convert_element_type3A_1166 = arith.truncf %get3A_1165 : vector<8192x256xf32> to vector<8192x256xbf16>
      %mul3A_1167 = arith.constant -2.000000e+00 : bf16
      %mul3A_1168 = vector.broadcast %mul3A_1167 : bf16 to vector<8192x256xbf16>
      %mul3A_1169 = arith.mulf %convert_element_type3A_1166, %mul3A_1168 : vector<8192x256xbf16>
      %swap3A_1170 = arith.constant 0 : index
      %swap3A_1171 = arith.constant 0 : index
      %swap3A_1172 = vector.load %arg5[%swap3A_1170, %swap3A_1171] : memref<8192x256xbf16, #tpu.memory_space<vmem>>, vector<8192x256xbf16>
      tpu.vector_store %arg5[%swap3A_1170, %swap3A_1171], %mul3A_1169 {strides = array<i32>} : memref<8192x256xbf16, #tpu.memory_space<vmem>>, vector<8192x256xbf16>,
      %mul3A_1173 = arith.mulf %get3A_1165, %get3A_1165 : vector<8192x256xf32>
      %reduce_sum3A_1174 = arith.constant dense<0.000000e+00> : vector<8192xf32>
      %reduce_sum3A_1175 = vector.multi_reduction <add>, %mul3A_1173, %reduce_sum3A_1174 [1] : vector<8192x256xf32> to vector<8192xf32>
      %broadcast_in_dim3A_1176 = vector.shape_cast %reduce_sum3A_1175 : vector<8192xf32> to vector<1x8192xf32>
      %swap3A_1177 = arith.constant 0 : index
      %swap3A_1178 = arith.constant 0 : index
      %swap3A_1179 = vector.load %arg6[%swap3A_1177, %swap3A_1178] : memref<1x8192xf32, #tpu.memory_space<vmem>>, vector<1x8192xf32>
      tpu.vector_store %arg6[%swap3A_1177, %swap3A_1178], %broadcast_in_dim3A_1176 {strides = array<i32>} : memref<1x8192xf32, #tpu.memory_space<vmem>>, vector<1x8192xf32>,
      %swap3A_1180 = arith.constant 0.000000e+00 : f32
      %swap3A_1181 = arith.constant 0 : index
      %swap3A_1182 = memref.load %arg7[%swap3A_1181] : memref<1xf32, #tpu.memory_space<smem>>
      memref.store %swap3A_1180, %arg7[%swap3A_1181] : memref<1xf32, #tpu.memory_space<smem>>
    } else {
    }
    %get3A = arith.constant 0 : index
    %get3A_2 = arith.constant 0 : index
    %get3A_3 = vector.load %arg1[%get3A, %get3A_2] : memref<1024x256xf32, #tpu.memory_space<vmem>>, vector<1024x256xf32>
    %convert_element_type3A_4 = arith.truncf %get3A_3 : vector<1024x256xf32> to vector<1024x256xbf16>
    %mul3A = arith.mulf %get3A_3, %get3A_3 : vector<1024x256xf32>
    %reduce_sum3A = arith.constant dense<0.000000e+00> : vector<1024xf32>
    %reduce_sum3A_5 = vector.multi_reduction <add>, %mul3A, %reduce_sum3A [1] : vector<1024x256xf32> to vector<1024xf32>
    %broadcast_in_dim3A = vector.shape_cast %reduce_sum3A_5 : vector<1024xf32> to vector<1024x1xf32>
    %broadcast_in_dim3A_6 = vector.shape_cast %broadcast_in_dim3A : vector<1024x1xf32> to vector<1024x1xf32>
    %broadcast_in_dim3A_7 = vector.broadcast %broadcast_in_dim3A_6 : vector<1024x1xf32> to vector<1024x128xf32>
    %iota3A = tpu.iota {dimensions = array<i32: 1>} : vector<1x128xi32>
    %convert_element_type3A_8 = arith.sitofp %iota3A : vector<1x128xi32> to vector<1x128xf32>
    %broadcast_in_dim3A_9 = arith.constant 0x7F800000 : f32
    %broadcast_in_dim3A_10 = vector.broadcast %broadcast_in_dim3A_9 : f32 to vector<1024x128xf32>
    %broadcast_in_dim3A_11 = arith.constant 0.000000e+00 : f32
    %broadcast_in_dim3A_12 = vector.broadcast %broadcast_in_dim3A_11 : f32 to vector<1024x128xf32>
    %get3A_13 = arith.constant 0 : index
    %get3A_14 = arith.constant 0 : index
    %get3A_15 = vector.load %arg5[%get3A_13, %get3A_14] : memref<8192x256xbf16, #tpu.memory_space<vmem>>, vector<1024x256xbf16>
    %dot_general3A = arith.constant dense<0.000000e+00> : vector<1024x1024xf32>
    %dot_general3A_16 = tpu.matmul %convert_element_type3A_4, %get3A_15, %dot_general3A {dimension_numbers = #tpu.dot_dimension_numbers<[1], [1], [0], [0], [0, 0, 1, 0], [], []>, transpose_lhs_hint = false} : vector<1024x256xbf16>, vector<1024x256xbf16>, vector<1024x1024xf32> -> vector<1024x1024xf32>
    %get3A_17 = arith.constant 0 : index
    %get3A_18 = arith.constant 0 : index
    %get3A_19 = vector.load %arg6[%get3A_17, %get3A_18] : memref<1x8192xf32, #tpu.memory_space<vmem>>, vector<1x128xf32>
    %get3A_20 = vector.shape_cast %get3A_19 : vector<1x128xf32> to vector<128xf32>
    %broadcast_in_dim3A_21 = vector.shape_cast %get3A_20 : vector<128xf32> to vector<1x128xf32>
    %add3A = vector.broadcast %broadcast_in_dim3A_21 : vector<1x128xf32> to vector<1024x128xf32>
    %add3A_22 = arith.addf %broadcast_in_dim3A_7, %add3A : vector<1024x128xf32>
    %slice3A = vector.extract_strided_slice %dot_general3A_16 {offsets = [0, 0], sizes = [1024, 128], strides = [1, 1]} : vector<1024x1024xf32> to vector<1024x128xf32>
    %add3A_23 = arith.addf %add3A_22, %slice3A : vector<1024x128xf32>
    %add3A_24 = arith.constant 0.000000e+00 : f32
    %add3A_25 = vector.broadcast %add3A_24 : f32 to vector<1x128xf32>
    %add3A_26 = arith.addf %convert_element_type3A_8, %add3A_25 : vector<1x128xf32>
    %lt3A = arith.cmpf olt, %add3A_23, %broadcast_in_dim3A_10 : vector<1024x128xf32>
    %select_n3A = arith.select %lt3A, %add3A_23, %broadcast_in_dim3A_10 : vector<1024x128xi1>, vector<1024x128xf32>
    %broadcast_in_dim3A_27 = vector.shape_cast %add3A_26 : vector<1x128xf32> to vector<1x128xf32>
    %broadcast_in_dim3A_28 = vector.broadcast %broadcast_in_dim3A_27 : vector<1x128xf32> to vector<1024x128xf32>
    %select_n3A_29 = arith.select %lt3A, %broadcast_in_dim3A_28, %broadcast_in_dim3A_12 : vector<1024x128xi1>, vector<1024x128xf32>
    %get3A_30 = arith.constant 0 : index
    %get3A_31 = arith.constant 128 : index
    %get3A_32 = vector.load %arg6[%get3A_30, %get3A_31] : memref<1x8192xf32, #tpu.memory_space<vmem>>, vector<1x128xf32>
    %get3A_33 = vector.shape_cast %get3A_32 : vector<1x128xf32> to vector<128xf32>
    %broadcast_in_dim3A_34 = vector.shape_cast %get3A_33 : vector<128xf32> to vector<1x128xf32>
    %add3A_35 = vector.broadcast %broadcast_in_dim3A_34 : vector<1x128xf32> to vector<1024x128xf32>
    %add3A_36 = arith.addf %broadcast_in_dim3A_7, %add3A_35 : vector<1024x128xf32>
    %slice3A_37 = vector.extract_strided_slice %dot_general3A_16 {offsets = [0, 128], sizes = [1024, 128], strides = [1, 1]} : vector<1024x1024xf32> to vector<1024x128xf32>
    %add3A_38 = arith.addf %add3A_36, %slice3A_37 : vector<1024x128xf32>
    %add3A_39 = arith.constant 1.280000e+02 : f32
    %add3A_40 = vector.broadcast %add3A_39 : f32 to vector<1x128xf32>
    %add3A_41 = arith.addf %convert_element_type3A_8, %add3A_40 : vector<1x128xf32>
    %lt3A_42 = arith.cmpf olt, %add3A_38, %select_n3A : vector<1024x128xf32>
    %select_n3A_43 = arith.select %lt3A_42, %add3A_38, %select_n3A : vector<1024x128xi1>, vector<1024x128xf32>
    %broadcast_in_dim3A_44 = vector.shape_cast %add3A_41 : vector<1x128xf32> to vector<1x128xf32>
    %broadcast_in_dim3A_45 = vector.broadcast %broadcast_in_dim3A_44 : vector<1x128xf32> to vector<1024x128xf32>
    %select_n3A_46 = arith.select %lt3A_42, %broadcast_in_dim3A_45, %select_n3A_29 : vector<1024x128xi1>, vector<1024x128xf32>
    %get3A_47 = arith.constant 0 : index
    %get3A_48 = arith.constant 256 : index
    %get3A_49 = vector.load %arg6[%get3A_47, %get3A_48] : memref<1x8192xf32, #tpu.memory_space<vmem>>, vector<1x128xf32>
    %get3A_50 = vector.shape_cast %get3A_49 : vector<1x128xf32> to vector<128xf32>
    %broadcast_in_dim3A_51 = vector.shape_cast %get3A_50 : vector<128xf32> to vector<1x128xf32>
    %add3A_52 = vector.broadcast %broadcast_in_dim3A_51 : vector<1x128xf32> to vector<1024x128xf32>
    %add3A_53 = arith.addf %broadcast_in_dim3A_7, %add3A_52 : vector<1024x128xf32>
    %slice3A_54 = vector.extract_strided_slice %dot_general3A_16 {offsets = [0, 256], sizes = [1024, 128], strides = [1, 1]} : vector<1024x1024xf32> to vector<1024x128xf32>
    %add3A_55 = arith.addf %add3A_53, %slice3A_54 : vector<1024x128xf32>
    %add3A_56 = arith.constant 2.560000e+02 : f32
    %add3A_57 = vector.broadcast %add3A_56 : f32 to vector<1x128xf32>
    %add3A_58 = arith.addf %convert_element_type3A_8, %add3A_57 : vector<1x128xf32>
    %lt3A_59 = arith.cmpf olt, %add3A_55, %select_n3A_43 : vector<1024x128xf32>
    %select_n3A_60 = arith.select %lt3A_59, %add3A_55, %select_n3A_43 : vector<1024x128xi1>, vector<1024x128xf32>
    %broadcast_in_dim3A_61 = vector.shape_cast %add3A_58 : vector<1x128xf32> to vector<1x128xf32>
    %broadcast_in_dim3A_62 = vector.broadcast %broadcast_in_dim3A_61 : vector<1x128xf32> to vector<1024x128xf32>
    %select_n3A_63 = arith.select %lt3A_59, %broadcast_in_dim3A_62, %select_n3A_46 : vector<1024x128xi1>, vector<1024x128xf32>
    %get3A_64 = arith.constant 0 : index
    %get3A_65 = arith.constant 384 : index
    %get3A_66 = vector.load %arg6[%get3A_64, %get3A_65] : memref<1x8192xf32, #tpu.memory_space<vmem>>, vector<1x128xf32>
    %get3A_67 = vector.shape_cast %get3A_66 : vector<1x128xf32> to vector<128xf32>
    %broadcast_in_dim3A_68 = vector.shape_cast %get3A_67 : vector<128xf32> to vector<1x128xf32>
    %add3A_69 = vector.broadcast %broadcast_in_dim3A_68 : vector<1x128xf32> to vector<1024x128xf32>
    %add3A_70 = arith.addf %broadcast_in_dim3A_7, %add3A_69 : vector<1024x128xf32>
    %slice3A_71 = vector.extract_strided_slice %dot_general3A_16 {offsets = [0, 384], sizes = [1024, 128], strides = [1, 1]} : vector<1024x1024xf32> to vector<1024x128xf32>
    %add3A_72 = arith.addf %add3A_70, %slice3A_71 : vector<1024x128xf32>
    %add3A_73 = arith.constant 3.840000e+02 : f32
    %add3A_74 = vector.broadcast %add3A_73 : f32 to vector<1x128xf32>
    %add3A_75 = arith.addf %convert_element_type3A_8, %add3A_74 : vector<1x128xf32>
    %lt3A_76 = arith.cmpf olt, %add3A_72, %select_n3A_60 : vector<1024x128xf32>
    %select_n3A_77 = arith.select %lt3A_76, %add3A_72, %select_n3A_60 : vector<1024x128xi1>, vector<1024x128xf32>
    %broadcast_in_dim3A_78 = vector.shape_cast %add3A_75 : vector<1x128xf32> to vector<1x128xf32>
    %broadcast_in_dim3A_79 = vector.broadcast %broadcast_in_dim3A_78 : vector<1x128xf32> to vector<1024x128xf32>
    %select_n3A_80 = arith.select %lt3A_76, %broadcast_in_dim3A_79, %select_n3A_63 : vector<1024x128xi1>, vector<1024x128xf32>
    %get3A_81 = arith.constant 0 : index
    %get3A_82 = arith.constant 512 : index
    %get3A_83 = vector.load %arg6[%get3A_81, %get3A_82] : memref<1x8192xf32, #tpu.memory_space<vmem>>, vector<1x128xf32>
    %get3A_84 = vector.shape_cast %get3A_83 : vector<1x128xf32> to vector<128xf32>
    %broadcast_in_dim3A_85 = vector.shape_cast %get3A_84 : vector<128xf32> to vector<1x128xf32>
    %add3A_86 = vector.broadcast %broadcast_in_dim3A_85 : vector<1x128xf32> to vector<1024x128xf32>
    %add3A_87 = arith.addf %broadcast_in_dim3A_7, %add3A_86 : vector<1024x128xf32>
    %slice3A_88 = vector.extract_strided_slice %dot_general3A_16 {offsets = [0, 512], sizes = [1024, 128], strides = [1, 1]} : vector<1024x1024xf32> to vector<1024x128xf32>
    %add3A_89 = arith.addf %add3A_87, %slice3A_88 : vector<1024x128xf32>
    %add3A_90 = arith.constant 5.120000e+02 : f32
    %add3A_91 = vector.broadcast %add3A_90 : f32 to vector<1x128xf32>
    %add3A_92 = arith.addf %convert_element_type3A_8, %add3A_91 : vector<1x128xf32>
    %lt3A_93 = arith.cmpf olt, %add3A_89, %select_n3A_77 : vector<1024x128xf32>
    %select_n3A_94 = arith.select %lt3A_93, %add3A_89, %select_n3A_77 : vector<1024x128xi1>, vector<1024x128xf32>
    %broadcast_in_dim3A_95 = vector.shape_cast %add3A_92 : vector<1x128xf32> to vector<1x128xf32>
    %broadcast_in_dim3A_96 = vector.broadcast %broadcast_in_dim3A_95 : vector<1x128xf32> to vector<1024x128xf32>
    %select_n3A_97 = arith.select %lt3A_93, %broadcast_in_dim3A_96, %select_n3A_80 : vector<1024x128xi1>, vector<1024x128xf32>
    %get3A_98 = arith.constant 0 : index
    %get3A_99 = arith.constant 640 : index
    %get3A_100 = vector.load %arg6[%get3A_98, %get3A_99] : memref<1x8192xf32, #tpu.memory_space<vmem>>, vector<1x128xf32>
    %get3A_101 = vector.shape_cast %get3A_100 : vector<1x128xf32> to vector<128xf32>
    %broadcast_in_dim3A_102 = vector.shape_cast %get3A_101 : vector<128xf32> to vector<1x128xf32>
    %add3A_103 = vector.broadcast %broadcast_in_dim3A_102 : vector<1x128xf32> to vector<1024x128xf32>
    %add3A_104 = arith.addf %broadcast_in_dim3A_7, %add3A_103 : vector<1024x128xf32>
    %slice3A_105 = vector.extract_strided_slice %dot_general3A_16 {offsets = [0, 640], sizes = [1024, 128], strides = [1, 1]} : vector<1024x1024xf32> to vector<1024x128xf32>
    %add3A_106 = arith.addf %add3A_104, %slice3A_105 : vector<1024x128xf32>
    %add3A_107 = arith.constant 6.400000e+02 : f32
    %add3A_108 = vector.broadcast %add3A_107 : f32 to vector<1x128xf32>
    %add3A_109 = arith.addf %convert_element_type3A_8, %add3A_108 : vector<1x128xf32>
    %lt3A_110 = arith.cmpf olt, %add3A_106, %select_n3A_94 : vector<1024x128xf32>
    %select_n3A_111 = arith.select %lt3A_110, %add3A_106, %select_n3A_94 : vector<1024x128xi1>, vector<1024x128xf32>
    %broadcast_in_dim3A_112 = vector.shape_cast %add3A_109 : vector<1x128xf32> to vector<1x128xf32>
    %broadcast_in_dim3A_113 = vector.broadcast %broadcast_in_dim3A_112 : vector<1x128xf32> to vector<1024x128xf32>
    %select_n3A_114 = arith.select %lt3A_110, %broadcast_in_dim3A_113, %select_n3A_97 : vector<1024x128xi1>, vector<1024x128xf32>
    %get3A_115 = arith.constant 0 : index
    %get3A_116 = arith.constant 768 : index
    %get3A_117 = vector.load %arg6[%get3A_115, %get3A_116] : memref<1x8192xf32, #tpu.memory_space<vmem>>, vector<1x128xf32>
    %get3A_118 = vector.shape_cast %get3A_117 : vector<1x128xf32> to vector<128xf32>
    %broadcast_in_dim3A_119 = vector.shape_cast %get3A_118 : vector<128xf32> to vector<1x128xf32>
    %add3A_120 = vector.broadcast %broadcast_in_dim3A_119 : vector<1x128xf32> to vector<1024x128xf32>
    %add3A_121 = arith.addf %broadcast_in_dim3A_7, %add3A_120 : vector<1024x128xf32>
    %slice3A_122 = vector.extract_strided_slice %dot_general3A_16 {offsets = [0, 768], sizes = [1024, 128], strides = [1, 1]} : vector<1024x1024xf32> to vector<1024x128xf32>
    %add3A_123 = arith.addf %add3A_121, %slice3A_122 : vector<1024x128xf32>
    %add3A_124 = arith.constant 7.680000e+02 : f32
    %add3A_125 = vector.broadcast %add3A_124 : f32 to vector<1x128xf32>
    %add3A_126 = arith.addf %convert_element_type3A_8, %add3A_125 : vector<1x128xf32>
    %lt3A_127 = arith.cmpf olt, %add3A_123, %select_n3A_111 : vector<1024x128xf32>
    %select_n3A_128 = arith.select %lt3A_127, %add3A_123, %select_n3A_111 : vector<1024x128xi1>, vector<1024x128xf32>
    %broadcast_in_dim3A_129 = vector.shape_cast %add3A_126 : vector<1x128xf32> to vector<1x128xf32>
    %broadcast_in_dim3A_130 = vector.broadcast %broadcast_in_dim3A_129 : vector<1x128xf32> to vector<1024x128xf32>
    %select_n3A_131 = arith.select %lt3A_127, %broadcast_in_dim3A_130, %select_n3A_114 : vector<1024x128xi1>, vector<1024x128xf32>
    %get3A_132 = arith.constant 0 : index
    %get3A_133 = arith.constant 896 : index
    %get3A_134 = vector.load %arg6[%get3A_132, %get3A_133] : memref<1x8192xf32, #tpu.memory_space<vmem>>, vector<1x128xf32>
    %get3A_135 = vector.shape_cast %get3A_134 : vector<1x128xf32> to vector<128xf32>
    %broadcast_in_dim3A_136 = vector.shape_cast %get3A_135 : vector<128xf32> to vector<1x128xf32>
    %add3A_137 = vector.broadcast %broadcast_in_dim3A_136 : vector<1x128xf32> to vector<1024x128xf32>
    %add3A_138 = arith.addf %broadcast_in_dim3A_7, %add3A_137 : vector<1024x128xf32>
    %slice3A_139 = vector.extract_strided_slice %dot_general3A_16 {offsets = [0, 896], sizes = [1024, 128], strides = [1, 1]} : vector<1024x1024xf32> to vector<1024x128xf32>
    %add3A_140 = arith.addf %add3A_138, %slice3A_139 : vector<1024x128xf32>
    %add3A_141 = arith.constant 8.960000e+02 : f32
    %add3A_142 = vector.broadcast %add3A_141 : f32 to vector<1x128xf32>
    %add3A_143 = arith.addf %convert_element_type3A_8, %add3A_142 : vector<1x128xf32>
    %lt3A_144 = arith.cmpf olt, %add3A_140, %select_n3A_128 : vector<1024x128xf32>
    %select_n3A_145 = arith.select %lt3A_144, %add3A_140, %select_n3A_128 : vector<1024x128xi1>, vector<1024x128xf32>
    %broadcast_in_dim3A_146 = vector.shape_cast %add3A_143 : vector<1x128xf32> to vector<1x128xf32>
    %broadcast_in_dim3A_147 = vector.broadcast %broadcast_in_dim3A_146 : vector<1x128xf32> to vector<1024x128xf32>
    %select_n3A_148 = arith.select %lt3A_144, %broadcast_in_dim3A_147, %select_n3A_131 : vector<1024x128xi1>, vector<1024x128xf32>
    %get3A_149 = arith.constant 1024 : index
    %get3A_150 = arith.constant 0 : index
    %get3A_151 = vector.load %arg5[%get3A_149, %get3A_150] : memref<8192x256xbf16, #tpu.memory_space<vmem>>, vector<1024x256xbf16>
    %dot_general3A_152 = arith.constant dense<0.000000e+00> : vector<1024x1024xf32>
    %dot_general3A_153 = tpu.matmul %convert_element_type3A_4, %get3A_151, %dot_general3A_152 {dimension_numbers = #tpu.dot_dimension_numbers<[1], [1], [0], [0], [0, 0, 1, 0], [], []>, transpose_lhs_hint = false} : vector<1024x256xbf16>, vector<1024x256xbf16>, vector<1024x1024xf32> -> vector<1024x1024xf32>
    %get3A_154 = arith.constant 0 : index
    %get3A_155 = arith.constant 1024 : index
    %get3A_156 = vector.load %arg6[%get3A_154, %get3A_155] : memref<1x8192xf32, #tpu.memory_space<vmem>>, vector<1x128xf32>
    %get3A_157 = vector.shape_cast %get3A_156 : vector<1x128xf32> to vector<128xf32>
    %broadcast_in_dim3A_158 = vector.shape_cast %get3A_157 : vector<128xf32> to vector<1x128xf32>
    %add3A_159 = vector.broadcast %broadcast_in_dim3A_158 : vector<1x128xf32> to vector<1024x128xf32>
    %add3A_160 = arith.addf %broadcast_in_dim3A_7, %add3A_159 : vector<1024x128xf32>
    %slice3A_161 = vector.extract_strided_slice %dot_general3A_153 {offsets = [0, 0], sizes = [1024, 128], strides = [1, 1]} : vector<1024x1024xf32> to vector<1024x128xf32>
    %add3A_162 = arith.addf %add3A_160, %slice3A_161 : vector<1024x128xf32>
    %add3A_163 = arith.constant 1.024000e+03 : f32
    %add3A_164 = vector.broadcast %add3A_163 : f32 to vector<1x128xf32>
    %add3A_165 = arith.addf %convert_element_type3A_8, %add3A_164 : vector<1x128xf32>
    %lt3A_166 = arith.cmpf olt, %add3A_162, %select_n3A_145 : vector<1024x128xf32>
    %select_n3A_167 = arith.select %lt3A_166, %add3A_162, %select_n3A_145 : vector<1024x128xi1>, vector<1024x128xf32>
    %broadcast_in_dim3A_168 = vector.shape_cast %add3A_165 : vector<1x128xf32> to vector<1x128xf32>
    %broadcast_in_dim3A_169 = vector.broadcast %broadcast_in_dim3A_168 : vector<1x128xf32> to vector<1024x128xf32>
    %select_n3A_170 = arith.select %lt3A_166, %broadcast_in_dim3A_169, %select_n3A_148 : vector<1024x128xi1>, vector<1024x128xf32>
    %get3A_171 = arith.constant 0 : index
    %get3A_172 = arith.constant 1152 : index
    %get3A_173 = vector.load %arg6[%get3A_171, %get3A_172] : memref<1x8192xf32, #tpu.memory_space<vmem>>, vector<1x128xf32>
    %get3A_174 = vector.shape_cast %get3A_173 : vector<1x128xf32> to vector<128xf32>
    %broadcast_in_dim3A_175 = vector.shape_cast %get3A_174 : vector<128xf32> to vector<1x128xf32>
    %add3A_176 = vector.broadcast %broadcast_in_dim3A_175 : vector<1x128xf32> to vector<1024x128xf32>
    %add3A_177 = arith.addf %broadcast_in_dim3A_7, %add3A_176 : vector<1024x128xf32>
    %slice3A_178 = vector.extract_strided_slice %dot_general3A_153 {offsets = [0, 128], sizes = [1024, 128], strides = [1, 1]} : vector<1024x1024xf32> to vector<1024x128xf32>
    %add3A_179 = arith.addf %add3A_177, %slice3A_178 : vector<1024x128xf32>
    %add3A_180 = arith.constant 1.152000e+03 : f32
    %add3A_181 = vector.broadcast %add3A_180 : f32 to vector<1x128xf32>
    %add3A_182 = arith.addf %convert_element_type3A_8, %add3A_181 : vector<1x128xf32>
    %lt3A_183 = arith.cmpf olt, %add3A_179, %select_n3A_167 : vector<1024x128xf32>
    %select_n3A_184 = arith.select %lt3A_183, %add3A_179, %select_n3A_167 : vector<1024x128xi1>, vector<1024x128xf32>
    %broadcast_in_dim3A_185 = vector.shape_cast %add3A_182 : vector<1x128xf32> to vector<1x128xf32>
    %broadcast_in_dim3A_186 = vector.broadcast %broadcast_in_dim3A_185 : vector<1x128xf32> to vector<1024x128xf32>
    %select_n3A_187 = arith.select %lt3A_183, %broadcast_in_dim3A_186, %select_n3A_170 : vector<1024x128xi1>, vector<1024x128xf32>
    %get3A_188 = arith.constant 0 : index
    %get3A_189 = arith.constant 1280 : index
    %get3A_190 = vector.load %arg6[%get3A_188, %get3A_189] : memref<1x8192xf32, #tpu.memory_space<vmem>>, vector<1x128xf32>
    %get3A_191 = vector.shape_cast %get3A_190 : vector<1x128xf32> to vector<128xf32>
    %broadcast_in_dim3A_192 = vector.shape_cast %get3A_191 : vector<128xf32> to vector<1x128xf32>
    %add3A_193 = vector.broadcast %broadcast_in_dim3A_192 : vector<1x128xf32> to vector<1024x128xf32>
    %add3A_194 = arith.addf %broadcast_in_dim3A_7, %add3A_193 : vector<1024x128xf32>
    %slice3A_195 = vector.extract_strided_slice %dot_general3A_153 {offsets = [0, 256], sizes = [1024, 128], strides = [1, 1]} : vector<1024x1024xf32> to vector<1024x128xf32>
    %add3A_196 = arith.addf %add3A_194, %slice3A_195 : vector<1024x128xf32>
    %add3A_197 = arith.constant 1.280000e+03 : f32
    %add3A_198 = vector.broadcast %add3A_197 : f32 to vector<1x128xf32>
    %add3A_199 = arith.addf %convert_element_type3A_8, %add3A_198 : vector<1x128xf32>
    %lt3A_200 = arith.cmpf olt, %add3A_196, %select_n3A_184 : vector<1024x128xf32>
    %select_n3A_201 = arith.select %lt3A_200, %add3A_196, %select_n3A_184 : vector<1024x128xi1>, vector<1024x128xf32>
    %broadcast_in_dim3A_202 = vector.shape_cast %add3A_199 : vector<1x128xf32> to vector<1x128xf32>
    %broadcast_in_dim3A_203 = vector.broadcast %broadcast_in_dim3A_202 : vector<1x128xf32> to vector<1024x128xf32>
    %select_n3A_204 = arith.select %lt3A_200, %broadcast_in_dim3A_203, %select_n3A_187 : vector<1024x128xi1>, vector<1024x128xf32>
    %get3A_205 = arith.constant 0 : index
    %get3A_206 = arith.constant 1408 : index
    %get3A_207 = vector.load %arg6[%get3A_205, %get3A_206] : memref<1x8192xf32, #tpu.memory_space<vmem>>, vector<1x128xf32>
    %get3A_208 = vector.shape_cast %get3A_207 : vector<1x128xf32> to vector<128xf32>
    %broadcast_in_dim3A_209 = vector.shape_cast %get3A_208 : vector<128xf32> to vector<1x128xf32>
    %add3A_210 = vector.broadcast %broadcast_in_dim3A_209 : vector<1x128xf32> to vector<1024x128xf32>
    %add3A_211 = arith.addf %broadcast_in_dim3A_7, %add3A_210 : vector<1024x128xf32>
    %slice3A_212 = vector.extract_strided_slice %dot_general3A_153 {offsets = [0, 384], sizes = [1024, 128], strides = [1, 1]} : vector<1024x1024xf32> to vector<1024x128xf32>
    %add3A_213 = arith.addf %add3A_211, %slice3A_212 : vector<1024x128xf32>
    %add3A_214 = arith.constant 1.408000e+03 : f32
    %add3A_215 = vector.broadcast %add3A_214 : f32 to vector<1x128xf32>
    %add3A_216 = arith.addf %convert_element_type3A_8, %add3A_215 : vector<1x128xf32>
    %lt3A_217 = arith.cmpf olt, %add3A_213, %select_n3A_201 : vector<1024x128xf32>
    %select_n3A_218 = arith.select %lt3A_217, %add3A_213, %select_n3A_201 : vector<1024x128xi1>, vector<1024x128xf32>
    %broadcast_in_dim3A_219 = vector.shape_cast %add3A_216 : vector<1x128xf32> to vector<1x128xf32>
    %broadcast_in_dim3A_220 = vector.broadcast %broadcast_in_dim3A_219 : vector<1x128xf32> to vector<1024x128xf32>
    %select_n3A_221 = arith.select %lt3A_217, %broadcast_in_dim3A_220, %select_n3A_204 : vector<1024x128xi1>, vector<1024x128xf32>
    %get3A_222 = arith.constant 0 : index
    %get3A_223 = arith.constant 1536 : index
    %get3A_224 = vector.load %arg6[%get3A_222, %get3A_223] : memref<1x8192xf32, #tpu.memory_space<vmem>>, vector<1x128xf32>
    %get3A_225 = vector.shape_cast %get3A_224 : vector<1x128xf32> to vector<128xf32>
    %broadcast_in_dim3A_226 = vector.shape_cast %get3A_225 : vector<128xf32> to vector<1x128xf32>
    %add3A_227 = vector.broadcast %broadcast_in_dim3A_226 : vector<1x128xf32> to vector<1024x128xf32>
    %add3A_228 = arith.addf %broadcast_in_dim3A_7, %add3A_227 : vector<1024x128xf32>
    %slice3A_229 = vector.extract_strided_slice %dot_general3A_153 {offsets = [0, 512], sizes = [1024, 128], strides = [1, 1]} : vector<1024x1024xf32> to vector<1024x128xf32>
    %add3A_230 = arith.addf %add3A_228, %slice3A_229 : vector<1024x128xf32>
    %add3A_231 = arith.constant 1.536000e+03 : f32
    %add3A_232 = vector.broadcast %add3A_231 : f32 to vector<1x128xf32>
    %add3A_233 = arith.addf %convert_element_type3A_8, %add3A_232 : vector<1x128xf32>
    %lt3A_234 = arith.cmpf olt, %add3A_230, %select_n3A_218 : vector<1024x128xf32>
    %select_n3A_235 = arith.select %lt3A_234, %add3A_230, %select_n3A_218 : vector<1024x128xi1>, vector<1024x128xf32>
    %broadcast_in_dim3A_236 = vector.shape_cast %add3A_233 : vector<1x128xf32> to vector<1x128xf32>
    %broadcast_in_dim3A_237 = vector.broadcast %broadcast_in_dim3A_236 : vector<1x128xf32> to vector<1024x128xf32>
    %select_n3A_238 = arith.select %lt3A_234, %broadcast_in_dim3A_237, %select_n3A_221 : vector<1024x128xi1>, vector<1024x128xf32>
    %get3A_239 = arith.constant 0 : index
    %get3A_240 = arith.constant 1664 : index
    %get3A_241 = vector.load %arg6[%get3A_239, %get3A_240] : memref<1x8192xf32, #tpu.memory_space<vmem>>, vector<1x128xf32>
    %get3A_242 = vector.shape_cast %get3A_241 : vector<1x128xf32> to vector<128xf32>
    %broadcast_in_dim3A_243 = vector.shape_cast %get3A_242 : vector<128xf32> to vector<1x128xf32>
    %add3A_244 = vector.broadcast %broadcast_in_dim3A_243 : vector<1x128xf32> to vector<1024x128xf32>
    %add3A_245 = arith.addf %broadcast_in_dim3A_7, %add3A_244 : vector<1024x128xf32>
    %slice3A_246 = vector.extract_strided_slice %dot_general3A_153 {offsets = [0, 640], sizes = [1024, 128], strides = [1, 1]} : vector<1024x1024xf32> to vector<1024x128xf32>
    %add3A_247 = arith.addf %add3A_245, %slice3A_246 : vector<1024x128xf32>
    %add3A_248 = arith.constant 1.664000e+03 : f32
    %add3A_249 = vector.broadcast %add3A_248 : f32 to vector<1x128xf32>
    %add3A_250 = arith.addf %convert_element_type3A_8, %add3A_249 : vector<1x128xf32>
    %lt3A_251 = arith.cmpf olt, %add3A_247, %select_n3A_235 : vector<1024x128xf32>
    %select_n3A_252 = arith.select %lt3A_251, %add3A_247, %select_n3A_235 : vector<1024x128xi1>, vector<1024x128xf32>
    %broadcast_in_dim3A_253 = vector.shape_cast %add3A_250 : vector<1x128xf32> to vector<1x128xf32>
    %broadcast_in_dim3A_254 = vector.broadcast %broadcast_in_dim3A_253 : vector<1x128xf32> to vector<1024x128xf32>
    %select_n3A_255 = arith.select %lt3A_251, %broadcast_in_dim3A_254, %select_n3A_238 : vector<1024x128xi1>, vector<1024x128xf32>
    %get3A_256 = arith.constant 0 : index
    %get3A_257 = arith.constant 1792 : index
    %get3A_258 = vector.load %arg6[%get3A_256, %get3A_257] : memref<1x8192xf32, #tpu.memory_space<vmem>>, vector<1x128xf32>
    %get3A_259 = vector.shape_cast %get3A_258 : vector<1x128xf32> to vector<128xf32>
    %broadcast_in_dim3A_260 = vector.shape_cast %get3A_259 : vector<128xf32> to vector<1x128xf32>
    %add3A_261 = vector.broadcast %broadcast_in_dim3A_260 : vector<1x128xf32> to vector<1024x128xf32>
    %add3A_262 = arith.addf %broadcast_in_dim3A_7, %add3A_261 : vector<1024x128xf32>
    %slice3A_263 = vector.extract_strided_slice %dot_general3A_153 {offsets = [0, 768], sizes = [1024, 128], strides = [1, 1]} : vector<1024x1024xf32> to vector<1024x128xf32>
    %add3A_264 = arith.addf %add3A_262, %slice3A_263 : vector<1024x128xf32>
    %add3A_265 = arith.constant 1.792000e+03 : f32
    %add3A_266 = vector.broadcast %add3A_265 : f32 to vector<1x128xf32>
    %add3A_267 = arith.addf %convert_element_type3A_8, %add3A_266 : vector<1x128xf32>
    %lt3A_268 = arith.cmpf olt, %add3A_264, %select_n3A_252 : vector<1024x128xf32>
    %select_n3A_269 = arith.select %lt3A_268, %add3A_264, %select_n3A_252 : vector<1024x128xi1>, vector<1024x128xf32>
    %broadcast_in_dim3A_270 = vector.shape_cast %add3A_267 : vector<1x128xf32> to vector<1x128xf32>
    %broadcast_in_dim3A_271 = vector.broadcast %broadcast_in_dim3A_270 : vector<1x128xf32> to vector<1024x128xf32>
    %select_n3A_272 = arith.select %lt3A_268, %broadcast_in_dim3A_271, %select_n3A_255 : vector<1024x128xi1>, vector<1024x128xf32>
    %get3A_273 = arith.constant 0 : index
    %get3A_274 = arith.constant 1920 : index
    %get3A_275 = vector.load %arg6[%get3A_273, %get3A_274] : memref<1x8192xf32, #tpu.memory_space<vmem>>, vector<1x128xf32>
    %get3A_276 = vector.shape_cast %get3A_275 : vector<1x128xf32> to vector<128xf32>
    %broadcast_in_dim3A_277 = vector.shape_cast %get3A_276 : vector<128xf32> to vector<1x128xf32>
    %add3A_278 = vector.broadcast %broadcast_in_dim3A_277 : vector<1x128xf32> to vector<1024x128xf32>
    %add3A_279 = arith.addf %broadcast_in_dim3A_7, %add3A_278 : vector<1024x128xf32>
    %slice3A_280 = vector.extract_strided_slice %dot_general3A_153 {offsets = [0, 896], sizes = [1024, 128], strides = [1, 1]} : vector<1024x1024xf32> to vector<1024x128xf32>
    %add3A_281 = arith.addf %add3A_279, %slice3A_280 : vector<1024x128xf32>
    %add3A_282 = arith.constant 1.920000e+03 : f32
    %add3A_283 = vector.broadcast %add3A_282 : f32 to vector<1x128xf32>
    %add3A_284 = arith.addf %convert_element_type3A_8, %add3A_283 : vector<1x128xf32>
    %lt3A_285 = arith.cmpf olt, %add3A_281, %select_n3A_269 : vector<1024x128xf32>
    %select_n3A_286 = arith.select %lt3A_285, %add3A_281, %select_n3A_269 : vector<1024x128xi1>, vector<1024x128xf32>
    %broadcast_in_dim3A_287 = vector.shape_cast %add3A_284 : vector<1x128xf32> to vector<1x128xf32>
    %broadcast_in_dim3A_288 = vector.broadcast %broadcast_in_dim3A_287 : vector<1x128xf32> to vector<1024x128xf32>
    %select_n3A_289 = arith.select %lt3A_285, %broadcast_in_dim3A_288, %select_n3A_272 : vector<1024x128xi1>, vector<1024x128xf32>
    %get3A_290 = arith.constant 2048 : index
    %get3A_291 = arith.constant 0 : index
    %get3A_292 = vector.load %arg5[%get3A_290, %get3A_291] : memref<8192x256xbf16, #tpu.memory_space<vmem>>, vector<1024x256xbf16>
    %dot_general3A_293 = arith.constant dense<0.000000e+00> : vector<1024x1024xf32>
    %dot_general3A_294 = tpu.matmul %convert_element_type3A_4, %get3A_292, %dot_general3A_293 {dimension_numbers = #tpu.dot_dimension_numbers<[1], [1], [0], [0], [0, 0, 1, 0], [], []>, transpose_lhs_hint = false} : vector<1024x256xbf16>, vector<1024x256xbf16>, vector<1024x1024xf32> -> vector<1024x1024xf32>
    %get3A_295 = arith.constant 0 : index
    %get3A_296 = arith.constant 2048 : index
    %get3A_297 = vector.load %arg6[%get3A_295, %get3A_296] : memref<1x8192xf32, #tpu.memory_space<vmem>>, vector<1x128xf32>
    %get3A_298 = vector.shape_cast %get3A_297 : vector<1x128xf32> to vector<128xf32>
    %broadcast_in_dim3A_299 = vector.shape_cast %get3A_298 : vector<128xf32> to vector<1x128xf32>
    %add3A_300 = vector.broadcast %broadcast_in_dim3A_299 : vector<1x128xf32> to vector<1024x128xf32>
    %add3A_301 = arith.addf %broadcast_in_dim3A_7, %add3A_300 : vector<1024x128xf32>
    %slice3A_302 = vector.extract_strided_slice %dot_general3A_294 {offsets = [0, 0], sizes = [1024, 128], strides = [1, 1]} : vector<1024x1024xf32> to vector<1024x128xf32>
    %add3A_303 = arith.addf %add3A_301, %slice3A_302 : vector<1024x128xf32>
    %add3A_304 = arith.constant 2.048000e+03 : f32
    %add3A_305 = vector.broadcast %add3A_304 : f32 to vector<1x128xf32>
    %add3A_306 = arith.addf %convert_element_type3A_8, %add3A_305 : vector<1x128xf32>
    %lt3A_307 = arith.cmpf olt, %add3A_303, %select_n3A_286 : vector<1024x128xf32>
    %select_n3A_308 = arith.select %lt3A_307, %add3A_303, %select_n3A_286 : vector<1024x128xi1>, vector<1024x128xf32>
    %broadcast_in_dim3A_309 = vector.shape_cast %add3A_306 : vector<1x128xf32> to vector<1x128xf32>
    %broadcast_in_dim3A_310 = vector.broadcast %broadcast_in_dim3A_309 : vector<1x128xf32> to vector<1024x128xf32>
    %select_n3A_311 = arith.select %lt3A_307, %broadcast_in_dim3A_310, %select_n3A_289 : vector<1024x128xi1>, vector<1024x128xf32>
    %get3A_312 = arith.constant 0 : index
    %get3A_313 = arith.constant 2176 : index
    %get3A_314 = vector.load %arg6[%get3A_312, %get3A_313] : memref<1x8192xf32, #tpu.memory_space<vmem>>, vector<1x128xf32>
    %get3A_315 = vector.shape_cast %get3A_314 : vector<1x128xf32> to vector<128xf32>
    %broadcast_in_dim3A_316 = vector.shape_cast %get3A_315 : vector<128xf32> to vector<1x128xf32>
    %add3A_317 = vector.broadcast %broadcast_in_dim3A_316 : vector<1x128xf32> to vector<1024x128xf32>
    %add3A_318 = arith.addf %broadcast_in_dim3A_7, %add3A_317 : vector<1024x128xf32>
    %slice3A_319 = vector.extract_strided_slice %dot_general3A_294 {offsets = [0, 128], sizes = [1024, 128], strides = [1, 1]} : vector<1024x1024xf32> to vector<1024x128xf32>
    %add3A_320 = arith.addf %add3A_318, %slice3A_319 : vector<1024x128xf32>
    %add3A_321 = arith.constant 2.176000e+03 : f32
    %add3A_322 = vector.broadcast %add3A_321 : f32 to vector<1x128xf32>
    %add3A_323 = arith.addf %convert_element_type3A_8, %add3A_322 : vector<1x128xf32>
    %lt3A_324 = arith.cmpf olt, %add3A_320, %select_n3A_308 : vector<1024x128xf32>
    %select_n3A_325 = arith.select %lt3A_324, %add3A_320, %select_n3A_308 : vector<1024x128xi1>, vector<1024x128xf32>
    %broadcast_in_dim3A_326 = vector.shape_cast %add3A_323 : vector<1x128xf32> to vector<1x128xf32>
    %broadcast_in_dim3A_327 = vector.broadcast %broadcast_in_dim3A_326 : vector<1x128xf32> to vector<1024x128xf32>
    %select_n3A_328 = arith.select %lt3A_324, %broadcast_in_dim3A_327, %select_n3A_311 : vector<1024x128xi1>, vector<1024x128xf32>
    %get3A_329 = arith.constant 0 : index
    %get3A_330 = arith.constant 2304 : index
    %get3A_331 = vector.load %arg6[%get3A_329, %get3A_330] : memref<1x8192xf32, #tpu.memory_space<vmem>>, vector<1x128xf32>
    %get3A_332 = vector.shape_cast %get3A_331 : vector<1x128xf32> to vector<128xf32>
    %broadcast_in_dim3A_333 = vector.shape_cast %get3A_332 : vector<128xf32> to vector<1x128xf32>
    %add3A_334 = vector.broadcast %broadcast_in_dim3A_333 : vector<1x128xf32> to vector<1024x128xf32>
    %add3A_335 = arith.addf %broadcast_in_dim3A_7, %add3A_334 : vector<1024x128xf32>
    %slice3A_336 = vector.extract_strided_slice %dot_general3A_294 {offsets = [0, 256], sizes = [1024, 128], strides = [1, 1]} : vector<1024x1024xf32> to vector<1024x128xf32>
    %add3A_337 = arith.addf %add3A_335, %slice3A_336 : vector<1024x128xf32>
    %add3A_338 = arith.constant 2.304000e+03 : f32
    %add3A_339 = vector.broadcast %add3A_338 : f32 to vector<1x128xf32>
    %add3A_340 = arith.addf %convert_element_type3A_8, %add3A_339 : vector<1x128xf32>
    %lt3A_341 = arith.cmpf olt, %add3A_337, %select_n3A_325 : vector<1024x128xf32>
    %select_n3A_342 = arith.select %lt3A_341, %add3A_337, %select_n3A_325 : vector<1024x128xi1>, vector<1024x128xf32>
    %broadcast_in_dim3A_343 = vector.shape_cast %add3A_340 : vector<1x128xf32> to vector<1x128xf32>
    %broadcast_in_dim3A_344 = vector.broadcast %broadcast_in_dim3A_343 : vector<1x128xf32> to vector<1024x128xf32>
    %select_n3A_345 = arith.select %lt3A_341, %broadcast_in_dim3A_344, %select_n3A_328 : vector<1024x128xi1>, vector<1024x128xf32>
    %get3A_346 = arith.constant 0 : index
    %get3A_347 = arith.constant 2432 : index
    %get3A_348 = vector.load %arg6[%get3A_346, %get3A_347] : memref<1x8192xf32, #tpu.memory_space<vmem>>, vector<1x128xf32>
    %get3A_349 = vector.shape_cast %get3A_348 : vector<1x128xf32> to vector<128xf32>
    %broadcast_in_dim3A_350 = vector.shape_cast %get3A_349 : vector<128xf32> to vector<1x128xf32>
    %add3A_351 = vector.broadcast %broadcast_in_dim3A_350 : vector<1x128xf32> to vector<1024x128xf32>
    %add3A_352 = arith.addf %broadcast_in_dim3A_7, %add3A_351 : vector<1024x128xf32>
    %slice3A_353 = vector.extract_strided_slice %dot_general3A_294 {offsets = [0, 384], sizes = [1024, 128], strides = [1, 1]} : vector<1024x1024xf32> to vector<1024x128xf32>
    %add3A_354 = arith.addf %add3A_352, %slice3A_353 : vector<1024x128xf32>
    %add3A_355 = arith.constant 2.432000e+03 : f32
    %add3A_356 = vector.broadcast %add3A_355 : f32 to vector<1x128xf32>
    %add3A_357 = arith.addf %convert_element_type3A_8, %add3A_356 : vector<1x128xf32>
    %lt3A_358 = arith.cmpf olt, %add3A_354, %select_n3A_342 : vector<1024x128xf32>
    %select_n3A_359 = arith.select %lt3A_358, %add3A_354, %select_n3A_342 : vector<1024x128xi1>, vector<1024x128xf32>
    %broadcast_in_dim3A_360 = vector.shape_cast %add3A_357 : vector<1x128xf32> to vector<1x128xf32>
    %broadcast_in_dim3A_361 = vector.broadcast %broadcast_in_dim3A_360 : vector<1x128xf32> to vector<1024x128xf32>
    %select_n3A_362 = arith.select %lt3A_358, %broadcast_in_dim3A_361, %select_n3A_345 : vector<1024x128xi1>, vector<1024x128xf32>
    %get3A_363 = arith.constant 0 : index
    %get3A_364 = arith.constant 2560 : index
    %get3A_365 = vector.load %arg6[%get3A_363, %get3A_364] : memref<1x8192xf32, #tpu.memory_space<vmem>>, vector<1x128xf32>
    %get3A_366 = vector.shape_cast %get3A_365 : vector<1x128xf32> to vector<128xf32>
    %broadcast_in_dim3A_367 = vector.shape_cast %get3A_366 : vector<128xf32> to vector<1x128xf32>
    %add3A_368 = vector.broadcast %broadcast_in_dim3A_367 : vector<1x128xf32> to vector<1024x128xf32>
    %add3A_369 = arith.addf %broadcast_in_dim3A_7, %add3A_368 : vector<1024x128xf32>
    %slice3A_370 = vector.extract_strided_slice %dot_general3A_294 {offsets = [0, 512], sizes = [1024, 128], strides = [1, 1]} : vector<1024x1024xf32> to vector<1024x128xf32>
    %add3A_371 = arith.addf %add3A_369, %slice3A_370 : vector<1024x128xf32>
    %add3A_372 = arith.constant 2.560000e+03 : f32
    %add3A_373 = vector.broadcast %add3A_372 : f32 to vector<1x128xf32>
    %add3A_374 = arith.addf %convert_element_type3A_8, %add3A_373 : vector<1x128xf32>
    %lt3A_375 = arith.cmpf olt, %add3A_371, %select_n3A_359 : vector<1024x128xf32>
    %select_n3A_376 = arith.select %lt3A_375, %add3A_371, %select_n3A_359 : vector<1024x128xi1>, vector<1024x128xf32>
    %broadcast_in_dim3A_377 = vector.shape_cast %add3A_374 : vector<1x128xf32> to vector<1x128xf32>
    %broadcast_in_dim3A_378 = vector.broadcast %broadcast_in_dim3A_377 : vector<1x128xf32> to vector<1024x128xf32>
    %select_n3A_379 = arith.select %lt3A_375, %broadcast_in_dim3A_378, %select_n3A_362 : vector<1024x128xi1>, vector<1024x128xf32>
    %get3A_380 = arith.constant 0 : index
    %get3A_381 = arith.constant 2688 : index
    %get3A_382 = vector.load %arg6[%get3A_380, %get3A_381] : memref<1x8192xf32, #tpu.memory_space<vmem>>, vector<1x128xf32>
    %get3A_383 = vector.shape_cast %get3A_382 : vector<1x128xf32> to vector<128xf32>
    %broadcast_in_dim3A_384 = vector.shape_cast %get3A_383 : vector<128xf32> to vector<1x128xf32>
    %add3A_385 = vector.broadcast %broadcast_in_dim3A_384 : vector<1x128xf32> to vector<1024x128xf32>
    %add3A_386 = arith.addf %broadcast_in_dim3A_7, %add3A_385 : vector<1024x128xf32>
    %slice3A_387 = vector.extract_strided_slice %dot_general3A_294 {offsets = [0, 640], sizes = [1024, 128], strides = [1, 1]} : vector<1024x1024xf32> to vector<1024x128xf32>
    %add3A_388 = arith.addf %add3A_386, %slice3A_387 : vector<1024x128xf32>
    %add3A_389 = arith.constant 2.688000e+03 : f32
    %add3A_390 = vector.broadcast %add3A_389 : f32 to vector<1x128xf32>
    %add3A_391 = arith.addf %convert_element_type3A_8, %add3A_390 : vector<1x128xf32>
    %lt3A_392 = arith.cmpf olt, %add3A_388, %select_n3A_376 : vector<1024x128xf32>
    %select_n3A_393 = arith.select %lt3A_392, %add3A_388, %select_n3A_376 : vector<1024x128xi1>, vector<1024x128xf32>
    %broadcast_in_dim3A_394 = vector.shape_cast %add3A_391 : vector<1x128xf32> to vector<1x128xf32>
    %broadcast_in_dim3A_395 = vector.broadcast %broadcast_in_dim3A_394 : vector<1x128xf32> to vector<1024x128xf32>
    %select_n3A_396 = arith.select %lt3A_392, %broadcast_in_dim3A_395, %select_n3A_379 : vector<1024x128xi1>, vector<1024x128xf32>
    %get3A_397 = arith.constant 0 : index
    %get3A_398 = arith.constant 2816 : index
    %get3A_399 = vector.load %arg6[%get3A_397, %get3A_398] : memref<1x8192xf32, #tpu.memory_space<vmem>>, vector<1x128xf32>
    %get3A_400 = vector.shape_cast %get3A_399 : vector<1x128xf32> to vector<128xf32>
    %broadcast_in_dim3A_401 = vector.shape_cast %get3A_400 : vector<128xf32> to vector<1x128xf32>
    %add3A_402 = vector.broadcast %broadcast_in_dim3A_401 : vector<1x128xf32> to vector<1024x128xf32>
    %add3A_403 = arith.addf %broadcast_in_dim3A_7, %add3A_402 : vector<1024x128xf32>
    %slice3A_404 = vector.extract_strided_slice %dot_general3A_294 {offsets = [0, 768], sizes = [1024, 128], strides = [1, 1]} : vector<1024x1024xf32> to vector<1024x128xf32>
    %add3A_405 = arith.addf %add3A_403, %slice3A_404 : vector<1024x128xf32>
    %add3A_406 = arith.constant 2.816000e+03 : f32
    %add3A_407 = vector.broadcast %add3A_406 : f32 to vector<1x128xf32>
    %add3A_408 = arith.addf %convert_element_type3A_8, %add3A_407 : vector<1x128xf32>
    %lt3A_409 = arith.cmpf olt, %add3A_405, %select_n3A_393 : vector<1024x128xf32>
    %select_n3A_410 = arith.select %lt3A_409, %add3A_405, %select_n3A_393 : vector<1024x128xi1>, vector<1024x128xf32>
    %broadcast_in_dim3A_411 = vector.shape_cast %add3A_408 : vector<1x128xf32> to vector<1x128xf32>
    %broadcast_in_dim3A_412 = vector.broadcast %broadcast_in_dim3A_411 : vector<1x128xf32> to vector<1024x128xf32>
    %select_n3A_413 = arith.select %lt3A_409, %broadcast_in_dim3A_412, %select_n3A_396 : vector<1024x128xi1>, vector<1024x128xf32>
    %get3A_414 = arith.constant 0 : index
    %get3A_415 = arith.constant 2944 : index
    %get3A_416 = vector.load %arg6[%get3A_414, %get3A_415] : memref<1x8192xf32, #tpu.memory_space<vmem>>, vector<1x128xf32>
    %get3A_417 = vector.shape_cast %get3A_416 : vector<1x128xf32> to vector<128xf32>
    %broadcast_in_dim3A_418 = vector.shape_cast %get3A_417 : vector<128xf32> to vector<1x128xf32>
    %add3A_419 = vector.broadcast %broadcast_in_dim3A_418 : vector<1x128xf32> to vector<1024x128xf32>
    %add3A_420 = arith.addf %broadcast_in_dim3A_7, %add3A_419 : vector<1024x128xf32>
    %slice3A_421 = vector.extract_strided_slice %dot_general3A_294 {offsets = [0, 896], sizes = [1024, 128], strides = [1, 1]} : vector<1024x1024xf32> to vector<1024x128xf32>
    %add3A_422 = arith.addf %add3A_420, %slice3A_421 : vector<1024x128xf32>
    %add3A_423 = arith.constant 2.944000e+03 : f32
    %add3A_424 = vector.broadcast %add3A_423 : f32 to vector<1x128xf32>
    %add3A_425 = arith.addf %convert_element_type3A_8, %add3A_424 : vector<1x128xf32>
    %lt3A_426 = arith.cmpf olt, %add3A_422, %select_n3A_410 : vector<1024x128xf32>
    %select_n3A_427 = arith.select %lt3A_426, %add3A_422, %select_n3A_410 : vector<1024x128xi1>, vector<1024x128xf32>
    %broadcast_in_dim3A_428 = vector.shape_cast %add3A_425 : vector<1x128xf32> to vector<1x128xf32>
    %broadcast_in_dim3A_429 = vector.broadcast %broadcast_in_dim3A_428 : vector<1x128xf32> to vector<1024x128xf32>
    %select_n3A_430 = arith.select %lt3A_426, %broadcast_in_dim3A_429, %select_n3A_413 : vector<1024x128xi1>, vector<1024x128xf32>
    %get3A_431 = arith.constant 3072 : index
    %get3A_432 = arith.constant 0 : index
    %get3A_433 = vector.load %arg5[%get3A_431, %get3A_432] : memref<8192x256xbf16, #tpu.memory_space<vmem>>, vector<1024x256xbf16>
    %dot_general3A_434 = arith.constant dense<0.000000e+00> : vector<1024x1024xf32>
    %dot_general3A_435 = tpu.matmul %convert_element_type3A_4, %get3A_433, %dot_general3A_434 {dimension_numbers = #tpu.dot_dimension_numbers<[1], [1], [0], [0], [0, 0, 1, 0], [], []>, transpose_lhs_hint = false} : vector<1024x256xbf16>, vector<1024x256xbf16>, vector<1024x1024xf32> -> vector<1024x1024xf32>
    %get3A_436 = arith.constant 0 : index
    %get3A_437 = arith.constant 3072 : index
    %get3A_438 = vector.load %arg6[%get3A_436, %get3A_437] : memref<1x8192xf32, #tpu.memory_space<vmem>>, vector<1x128xf32>
    %get3A_439 = vector.shape_cast %get3A_438 : vector<1x128xf32> to vector<128xf32>
    %broadcast_in_dim3A_440 = vector.shape_cast %get3A_439 : vector<128xf32> to vector<1x128xf32>
    %add3A_441 = vector.broadcast %broadcast_in_dim3A_440 : vector<1x128xf32> to vector<1024x128xf32>
    %add3A_442 = arith.addf %broadcast_in_dim3A_7, %add3A_441 : vector<1024x128xf32>
    %slice3A_443 = vector.extract_strided_slice %dot_general3A_435 {offsets = [0, 0], sizes = [1024, 128], strides = [1, 1]} : vector<1024x1024xf32> to vector<1024x128xf32>
    %add3A_444 = arith.addf %add3A_442, %slice3A_443 : vector<1024x128xf32>
    %add3A_445 = arith.constant 3.072000e+03 : f32
    %add3A_446 = vector.broadcast %add3A_445 : f32 to vector<1x128xf32>
    %add3A_447 = arith.addf %convert_element_type3A_8, %add3A_446 : vector<1x128xf32>
    %lt3A_448 = arith.cmpf olt, %add3A_444, %select_n3A_427 : vector<1024x128xf32>
    %select_n3A_449 = arith.select %lt3A_448, %add3A_444, %select_n3A_427 : vector<1024x128xi1>, vector<1024x128xf32>
    %broadcast_in_dim3A_450 = vector.shape_cast %add3A_447 : vector<1x128xf32> to vector<1x128xf32>
    %broadcast_in_dim3A_451 = vector.broadcast %broadcast_in_dim3A_450 : vector<1x128xf32> to vector<1024x128xf32>
    %select_n3A_452 = arith.select %lt3A_448, %broadcast_in_dim3A_451, %select_n3A_430 : vector<1024x128xi1>, vector<1024x128xf32>
    %get3A_453 = arith.constant 0 : index
    %get3A_454 = arith.constant 3200 : index
    %get3A_455 = vector.load %arg6[%get3A_453, %get3A_454] : memref<1x8192xf32, #tpu.memory_space<vmem>>, vector<1x128xf32>
    %get3A_456 = vector.shape_cast %get3A_455 : vector<1x128xf32> to vector<128xf32>
    %broadcast_in_dim3A_457 = vector.shape_cast %get3A_456 : vector<128xf32> to vector<1x128xf32>
    %add3A_458 = vector.broadcast %broadcast_in_dim3A_457 : vector<1x128xf32> to vector<1024x128xf32>
    %add3A_459 = arith.addf %broadcast_in_dim3A_7, %add3A_458 : vector<1024x128xf32>
    %slice3A_460 = vector.extract_strided_slice %dot_general3A_435 {offsets = [0, 128], sizes = [1024, 128], strides = [1, 1]} : vector<1024x1024xf32> to vector<1024x128xf32>
    %add3A_461 = arith.addf %add3A_459, %slice3A_460 : vector<1024x128xf32>
    %add3A_462 = arith.constant 3.200000e+03 : f32
    %add3A_463 = vector.broadcast %add3A_462 : f32 to vector<1x128xf32>
    %add3A_464 = arith.addf %convert_element_type3A_8, %add3A_463 : vector<1x128xf32>
    %lt3A_465 = arith.cmpf olt, %add3A_461, %select_n3A_449 : vector<1024x128xf32>
    %select_n3A_466 = arith.select %lt3A_465, %add3A_461, %select_n3A_449 : vector<1024x128xi1>, vector<1024x128xf32>
    %broadcast_in_dim3A_467 = vector.shape_cast %add3A_464 : vector<1x128xf32> to vector<1x128xf32>
    %broadcast_in_dim3A_468 = vector.broadcast %broadcast_in_dim3A_467 : vector<1x128xf32> to vector<1024x128xf32>
    %select_n3A_469 = arith.select %lt3A_465, %broadcast_in_dim3A_468, %select_n3A_452 : vector<1024x128xi1>, vector<1024x128xf32>
    %get3A_470 = arith.constant 0 : index
    %get3A_471 = arith.constant 3328 : index
    %get3A_472 = vector.load %arg6[%get3A_470, %get3A_471] : memref<1x8192xf32, #tpu.memory_space<vmem>>, vector<1x128xf32>
    %get3A_473 = vector.shape_cast %get3A_472 : vector<1x128xf32> to vector<128xf32>
    %broadcast_in_dim3A_474 = vector.shape_cast %get3A_473 : vector<128xf32> to vector<1x128xf32>
    %add3A_475 = vector.broadcast %broadcast_in_dim3A_474 : vector<1x128xf32> to vector<1024x128xf32>
    %add3A_476 = arith.addf %broadcast_in_dim3A_7, %add3A_475 : vector<1024x128xf32>
    %slice3A_477 = vector.extract_strided_slice %dot_general3A_435 {offsets = [0, 256], sizes = [1024, 128], strides = [1, 1]} : vector<1024x1024xf32> to vector<1024x128xf32>
    %add3A_478 = arith.addf %add3A_476, %slice3A_477 : vector<1024x128xf32>
    %add3A_479 = arith.constant 3.328000e+03 : f32
    %add3A_480 = vector.broadcast %add3A_479 : f32 to vector<1x128xf32>
    %add3A_481 = arith.addf %convert_element_type3A_8, %add3A_480 : vector<1x128xf32>
    %lt3A_482 = arith.cmpf olt, %add3A_478, %select_n3A_466 : vector<1024x128xf32>
    %select_n3A_483 = arith.select %lt3A_482, %add3A_478, %select_n3A_466 : vector<1024x128xi1>, vector<1024x128xf32>
    %broadcast_in_dim3A_484 = vector.shape_cast %add3A_481 : vector<1x128xf32> to vector<1x128xf32>
    %broadcast_in_dim3A_485 = vector.broadcast %broadcast_in_dim3A_484 : vector<1x128xf32> to vector<1024x128xf32>
    %select_n3A_486 = arith.select %lt3A_482, %broadcast_in_dim3A_485, %select_n3A_469 : vector<1024x128xi1>, vector<1024x128xf32>
    %get3A_487 = arith.constant 0 : index
    %get3A_488 = arith.constant 3456 : index
    %get3A_489 = vector.load %arg6[%get3A_487, %get3A_488] : memref<1x8192xf32, #tpu.memory_space<vmem>>, vector<1x128xf32>
    %get3A_490 = vector.shape_cast %get3A_489 : vector<1x128xf32> to vector<128xf32>
    %broadcast_in_dim3A_491 = vector.shape_cast %get3A_490 : vector<128xf32> to vector<1x128xf32>
    %add3A_492 = vector.broadcast %broadcast_in_dim3A_491 : vector<1x128xf32> to vector<1024x128xf32>
    %add3A_493 = arith.addf %broadcast_in_dim3A_7, %add3A_492 : vector<1024x128xf32>
    %slice3A_494 = vector.extract_strided_slice %dot_general3A_435 {offsets = [0, 384], sizes = [1024, 128], strides = [1, 1]} : vector<1024x1024xf32> to vector<1024x128xf32>
    %add3A_495 = arith.addf %add3A_493, %slice3A_494 : vector<1024x128xf32>
    %add3A_496 = arith.constant 3.456000e+03 : f32
    %add3A_497 = vector.broadcast %add3A_496 : f32 to vector<1x128xf32>
    %add3A_498 = arith.addf %convert_element_type3A_8, %add3A_497 : vector<1x128xf32>
    %lt3A_499 = arith.cmpf olt, %add3A_495, %select_n3A_483 : vector<1024x128xf32>
    %select_n3A_500 = arith.select %lt3A_499, %add3A_495, %select_n3A_483 : vector<1024x128xi1>, vector<1024x128xf32>
    %broadcast_in_dim3A_501 = vector.shape_cast %add3A_498 : vector<1x128xf32> to vector<1x128xf32>
    %broadcast_in_dim3A_502 = vector.broadcast %broadcast_in_dim3A_501 : vector<1x128xf32> to vector<1024x128xf32>
    %select_n3A_503 = arith.select %lt3A_499, %broadcast_in_dim3A_502, %select_n3A_486 : vector<1024x128xi1>, vector<1024x128xf32>
    %get3A_504 = arith.constant 0 : index
    %get3A_505 = arith.constant 3584 : index
    %get3A_506 = vector.load %arg6[%get3A_504, %get3A_505] : memref<1x8192xf32, #tpu.memory_space<vmem>>, vector<1x128xf32>
    %get3A_507 = vector.shape_cast %get3A_506 : vector<1x128xf32> to vector<128xf32>
    %broadcast_in_dim3A_508 = vector.shape_cast %get3A_507 : vector<128xf32> to vector<1x128xf32>
    %add3A_509 = vector.broadcast %broadcast_in_dim3A_508 : vector<1x128xf32> to vector<1024x128xf32>
    %add3A_510 = arith.addf %broadcast_in_dim3A_7, %add3A_509 : vector<1024x128xf32>
    %slice3A_511 = vector.extract_strided_slice %dot_general3A_435 {offsets = [0, 512], sizes = [1024, 128], strides = [1, 1]} : vector<1024x1024xf32> to vector<1024x128xf32>
    %add3A_512 = arith.addf %add3A_510, %slice3A_511 : vector<1024x128xf32>
    %add3A_513 = arith.constant 3.584000e+03 : f32
    %add3A_514 = vector.broadcast %add3A_513 : f32 to vector<1x128xf32>
    %add3A_515 = arith.addf %convert_element_type3A_8, %add3A_514 : vector<1x128xf32>
    %lt3A_516 = arith.cmpf olt, %add3A_512, %select_n3A_500 : vector<1024x128xf32>
    %select_n3A_517 = arith.select %lt3A_516, %add3A_512, %select_n3A_500 : vector<1024x128xi1>, vector<1024x128xf32>
    %broadcast_in_dim3A_518 = vector.shape_cast %add3A_515 : vector<1x128xf32> to vector<1x128xf32>
    %broadcast_in_dim3A_519 = vector.broadcast %broadcast_in_dim3A_518 : vector<1x128xf32> to vector<1024x128xf32>
    %select_n3A_520 = arith.select %lt3A_516, %broadcast_in_dim3A_519, %select_n3A_503 : vector<1024x128xi1>, vector<1024x128xf32>
    %get3A_521 = arith.constant 0 : index
    %get3A_522 = arith.constant 3712 : index
    %get3A_523 = vector.load %arg6[%get3A_521, %get3A_522] : memref<1x8192xf32, #tpu.memory_space<vmem>>, vector<1x128xf32>
    %get3A_524 = vector.shape_cast %get3A_523 : vector<1x128xf32> to vector<128xf32>
    %broadcast_in_dim3A_525 = vector.shape_cast %get3A_524 : vector<128xf32> to vector<1x128xf32>
    %add3A_526 = vector.broadcast %broadcast_in_dim3A_525 : vector<1x128xf32> to vector<1024x128xf32>
    %add3A_527 = arith.addf %broadcast_in_dim3A_7, %add3A_526 : vector<1024x128xf32>
    %slice3A_528 = vector.extract_strided_slice %dot_general3A_435 {offsets = [0, 640], sizes = [1024, 128], strides = [1, 1]} : vector<1024x1024xf32> to vector<1024x128xf32>
    %add3A_529 = arith.addf %add3A_527, %slice3A_528 : vector<1024x128xf32>
    %add3A_530 = arith.constant 3.712000e+03 : f32
    %add3A_531 = vector.broadcast %add3A_530 : f32 to vector<1x128xf32>
    %add3A_532 = arith.addf %convert_element_type3A_8, %add3A_531 : vector<1x128xf32>
    %lt3A_533 = arith.cmpf olt, %add3A_529, %select_n3A_517 : vector<1024x128xf32>
    %select_n3A_534 = arith.select %lt3A_533, %add3A_529, %select_n3A_517 : vector<1024x128xi1>, vector<1024x128xf32>
    %broadcast_in_dim3A_535 = vector.shape_cast %add3A_532 : vector<1x128xf32> to vector<1x128xf32>
    %broadcast_in_dim3A_536 = vector.broadcast %broadcast_in_dim3A_535 : vector<1x128xf32> to vector<1024x128xf32>
    %select_n3A_537 = arith.select %lt3A_533, %broadcast_in_dim3A_536, %select_n3A_520 : vector<1024x128xi1>, vector<1024x128xf32>
    %get3A_538 = arith.constant 0 : index
    %get3A_539 = arith.constant 3840 : index
    %get3A_540 = vector.load %arg6[%get3A_538, %get3A_539] : memref<1x8192xf32, #tpu.memory_space<vmem>>, vector<1x128xf32>
    %get3A_541 = vector.shape_cast %get3A_540 : vector<1x128xf32> to vector<128xf32>
    %broadcast_in_dim3A_542 = vector.shape_cast %get3A_541 : vector<128xf32> to vector<1x128xf32>
    %add3A_543 = vector.broadcast %broadcast_in_dim3A_542 : vector<1x128xf32> to vector<1024x128xf32>
    %add3A_544 = arith.addf %broadcast_in_dim3A_7, %add3A_543 : vector<1024x128xf32>
    %slice3A_545 = vector.extract_strided_slice %dot_general3A_435 {offsets = [0, 768], sizes = [1024, 128], strides = [1, 1]} : vector<1024x1024xf32> to vector<1024x128xf32>
    %add3A_546 = arith.addf %add3A_544, %slice3A_545 : vector<1024x128xf32>
    %add3A_547 = arith.constant 3.840000e+03 : f32
    %add3A_548 = vector.broadcast %add3A_547 : f32 to vector<1x128xf32>
    %add3A_549 = arith.addf %convert_element_type3A_8, %add3A_548 : vector<1x128xf32>
    %lt3A_550 = arith.cmpf olt, %add3A_546, %select_n3A_534 : vector<1024x128xf32>
    %select_n3A_551 = arith.select %lt3A_550, %add3A_546, %select_n3A_534 : vector<1024x128xi1>, vector<1024x128xf32>
    %broadcast_in_dim3A_552 = vector.shape_cast %add3A_549 : vector<1x128xf32> to vector<1x128xf32>
    %broadcast_in_dim3A_553 = vector.broadcast %broadcast_in_dim3A_552 : vector<1x128xf32> to vector<1024x128xf32>
    %select_n3A_554 = arith.select %lt3A_550, %broadcast_in_dim3A_553, %select_n3A_537 : vector<1024x128xi1>, vector<1024x128xf32>
    %get3A_555 = arith.constant 0 : index
    %get3A_556 = arith.constant 3968 : index
    %get3A_557 = vector.load %arg6[%get3A_555, %get3A_556] : memref<1x8192xf32, #tpu.memory_space<vmem>>, vector<1x128xf32>
    %get3A_558 = vector.shape_cast %get3A_557 : vector<1x128xf32> to vector<128xf32>
    %broadcast_in_dim3A_559 = vector.shape_cast %get3A_558 : vector<128xf32> to vector<1x128xf32>
    %add3A_560 = vector.broadcast %broadcast_in_dim3A_559 : vector<1x128xf32> to vector<1024x128xf32>
    %add3A_561 = arith.addf %broadcast_in_dim3A_7, %add3A_560 : vector<1024x128xf32>
    %slice3A_562 = vector.extract_strided_slice %dot_general3A_435 {offsets = [0, 896], sizes = [1024, 128], strides = [1, 1]} : vector<1024x1024xf32> to vector<1024x128xf32>
    %add3A_563 = arith.addf %add3A_561, %slice3A_562 : vector<1024x128xf32>
    %add3A_564 = arith.constant 3.968000e+03 : f32
    %add3A_565 = vector.broadcast %add3A_564 : f32 to vector<1x128xf32>
    %add3A_566 = arith.addf %convert_element_type3A_8, %add3A_565 : vector<1x128xf32>
    %lt3A_567 = arith.cmpf olt, %add3A_563, %select_n3A_551 : vector<1024x128xf32>
    %select_n3A_568 = arith.select %lt3A_567, %add3A_563, %select_n3A_551 : vector<1024x128xi1>, vector<1024x128xf32>
    %broadcast_in_dim3A_569 = vector.shape_cast %add3A_566 : vector<1x128xf32> to vector<1x128xf32>
    %broadcast_in_dim3A_570 = vector.broadcast %broadcast_in_dim3A_569 : vector<1x128xf32> to vector<1024x128xf32>
    %select_n3A_571 = arith.select %lt3A_567, %broadcast_in_dim3A_570, %select_n3A_554 : vector<1024x128xi1>, vector<1024x128xf32>
    %get3A_572 = arith.constant 4096 : index
    %get3A_573 = arith.constant 0 : index
    %get3A_574 = vector.load %arg5[%get3A_572, %get3A_573] : memref<8192x256xbf16, #tpu.memory_space<vmem>>, vector<1024x256xbf16>
    %dot_general3A_575 = arith.constant dense<0.000000e+00> : vector<1024x1024xf32>
    %dot_general3A_576 = tpu.matmul %convert_element_type3A_4, %get3A_574, %dot_general3A_575 {dimension_numbers = #tpu.dot_dimension_numbers<[1], [1], [0], [0], [0, 0, 1, 0], [], []>, transpose_lhs_hint = false} : vector<1024x256xbf16>, vector<1024x256xbf16>, vector<1024x1024xf32> -> vector<1024x1024xf32>
    %get3A_577 = arith.constant 0 : index
    %get3A_578 = arith.constant 4096 : index
    %get3A_579 = vector.load %arg6[%get3A_577, %get3A_578] : memref<1x8192xf32, #tpu.memory_space<vmem>>, vector<1x128xf32>
    %get3A_580 = vector.shape_cast %get3A_579 : vector<1x128xf32> to vector<128xf32>
    %broadcast_in_dim3A_581 = vector.shape_cast %get3A_580 : vector<128xf32> to vector<1x128xf32>
    %add3A_582 = vector.broadcast %broadcast_in_dim3A_581 : vector<1x128xf32> to vector<1024x128xf32>
    %add3A_583 = arith.addf %broadcast_in_dim3A_7, %add3A_582 : vector<1024x128xf32>
    %slice3A_584 = vector.extract_strided_slice %dot_general3A_576 {offsets = [0, 0], sizes = [1024, 128], strides = [1, 1]} : vector<1024x1024xf32> to vector<1024x128xf32>
    %add3A_585 = arith.addf %add3A_583, %slice3A_584 : vector<1024x128xf32>
    %add3A_586 = arith.constant 4.096000e+03 : f32
    %add3A_587 = vector.broadcast %add3A_586 : f32 to vector<1x128xf32>
    %add3A_588 = arith.addf %convert_element_type3A_8, %add3A_587 : vector<1x128xf32>
    %lt3A_589 = arith.cmpf olt, %add3A_585, %select_n3A_568 : vector<1024x128xf32>
    %select_n3A_590 = arith.select %lt3A_589, %add3A_585, %select_n3A_568 : vector<1024x128xi1>, vector<1024x128xf32>
    %broadcast_in_dim3A_591 = vector.shape_cast %add3A_588 : vector<1x128xf32> to vector<1x128xf32>
    %broadcast_in_dim3A_592 = vector.broadcast %broadcast_in_dim3A_591 : vector<1x128xf32> to vector<1024x128xf32>
    %select_n3A_593 = arith.select %lt3A_589, %broadcast_in_dim3A_592, %select_n3A_571 : vector<1024x128xi1>, vector<1024x128xf32>
    %get3A_594 = arith.constant 0 : index
    %get3A_595 = arith.constant 4224 : index
    %get3A_596 = vector.load %arg6[%get3A_594, %get3A_595] : memref<1x8192xf32, #tpu.memory_space<vmem>>, vector<1x128xf32>
    %get3A_597 = vector.shape_cast %get3A_596 : vector<1x128xf32> to vector<128xf32>
    %broadcast_in_dim3A_598 = vector.shape_cast %get3A_597 : vector<128xf32> to vector<1x128xf32>
    %add3A_599 = vector.broadcast %broadcast_in_dim3A_598 : vector<1x128xf32> to vector<1024x128xf32>
    %add3A_600 = arith.addf %broadcast_in_dim3A_7, %add3A_599 : vector<1024x128xf32>
    %slice3A_601 = vector.extract_strided_slice %dot_general3A_576 {offsets = [0, 128], sizes = [1024, 128], strides = [1, 1]} : vector<1024x1024xf32> to vector<1024x128xf32>
    %add3A_602 = arith.addf %add3A_600, %slice3A_601 : vector<1024x128xf32>
    %add3A_603 = arith.constant 4.224000e+03 : f32
    %add3A_604 = vector.broadcast %add3A_603 : f32 to vector<1x128xf32>
    %add3A_605 = arith.addf %convert_element_type3A_8, %add3A_604 : vector<1x128xf32>
    %lt3A_606 = arith.cmpf olt, %add3A_602, %select_n3A_590 : vector<1024x128xf32>
    %select_n3A_607 = arith.select %lt3A_606, %add3A_602, %select_n3A_590 : vector<1024x128xi1>, vector<1024x128xf32>
    %broadcast_in_dim3A_608 = vector.shape_cast %add3A_605 : vector<1x128xf32> to vector<1x128xf32>
    %broadcast_in_dim3A_609 = vector.broadcast %broadcast_in_dim3A_608 : vector<1x128xf32> to vector<1024x128xf32>
    %select_n3A_610 = arith.select %lt3A_606, %broadcast_in_dim3A_609, %select_n3A_593 : vector<1024x128xi1>, vector<1024x128xf32>
    %get3A_611 = arith.constant 0 : index
    %get3A_612 = arith.constant 4352 : index
    %get3A_613 = vector.load %arg6[%get3A_611, %get3A_612] : memref<1x8192xf32, #tpu.memory_space<vmem>>, vector<1x128xf32>
    %get3A_614 = vector.shape_cast %get3A_613 : vector<1x128xf32> to vector<128xf32>
    %broadcast_in_dim3A_615 = vector.shape_cast %get3A_614 : vector<128xf32> to vector<1x128xf32>
    %add3A_616 = vector.broadcast %broadcast_in_dim3A_615 : vector<1x128xf32> to vector<1024x128xf32>
    %add3A_617 = arith.addf %broadcast_in_dim3A_7, %add3A_616 : vector<1024x128xf32>
    %slice3A_618 = vector.extract_strided_slice %dot_general3A_576 {offsets = [0, 256], sizes = [1024, 128], strides = [1, 1]} : vector<1024x1024xf32> to vector<1024x128xf32>
    %add3A_619 = arith.addf %add3A_617, %slice3A_618 : vector<1024x128xf32>
    %add3A_620 = arith.constant 4.352000e+03 : f32
    %add3A_621 = vector.broadcast %add3A_620 : f32 to vector<1x128xf32>
    %add3A_622 = arith.addf %convert_element_type3A_8, %add3A_621 : vector<1x128xf32>
    %lt3A_623 = arith.cmpf olt, %add3A_619, %select_n3A_607 : vector<1024x128xf32>
    %select_n3A_624 = arith.select %lt3A_623, %add3A_619, %select_n3A_607 : vector<1024x128xi1>, vector<1024x128xf32>
    %broadcast_in_dim3A_625 = vector.shape_cast %add3A_622 : vector<1x128xf32> to vector<1x128xf32>
    %broadcast_in_dim3A_626 = vector.broadcast %broadcast_in_dim3A_625 : vector<1x128xf32> to vector<1024x128xf32>
    %select_n3A_627 = arith.select %lt3A_623, %broadcast_in_dim3A_626, %select_n3A_610 : vector<1024x128xi1>, vector<1024x128xf32>
    %get3A_628 = arith.constant 0 : index
    %get3A_629 = arith.constant 4480 : index
    %get3A_630 = vector.load %arg6[%get3A_628, %get3A_629] : memref<1x8192xf32, #tpu.memory_space<vmem>>, vector<1x128xf32>
    %get3A_631 = vector.shape_cast %get3A_630 : vector<1x128xf32> to vector<128xf32>
    %broadcast_in_dim3A_632 = vector.shape_cast %get3A_631 : vector<128xf32> to vector<1x128xf32>
    %add3A_633 = vector.broadcast %broadcast_in_dim3A_632 : vector<1x128xf32> to vector<1024x128xf32>
    %add3A_634 = arith.addf %broadcast_in_dim3A_7, %add3A_633 : vector<1024x128xf32>
    %slice3A_635 = vector.extract_strided_slice %dot_general3A_576 {offsets = [0, 384], sizes = [1024, 128], strides = [1, 1]} : vector<1024x1024xf32> to vector<1024x128xf32>
    %add3A_636 = arith.addf %add3A_634, %slice3A_635 : vector<1024x128xf32>
    %add3A_637 = arith.constant 4.480000e+03 : f32
    %add3A_638 = vector.broadcast %add3A_637 : f32 to vector<1x128xf32>
    %add3A_639 = arith.addf %convert_element_type3A_8, %add3A_638 : vector<1x128xf32>
    %lt3A_640 = arith.cmpf olt, %add3A_636, %select_n3A_624 : vector<1024x128xf32>
    %select_n3A_641 = arith.select %lt3A_640, %add3A_636, %select_n3A_624 : vector<1024x128xi1>, vector<1024x128xf32>
    %broadcast_in_dim3A_642 = vector.shape_cast %add3A_639 : vector<1x128xf32> to vector<1x128xf32>
    %broadcast_in_dim3A_643 = vector.broadcast %broadcast_in_dim3A_642 : vector<1x128xf32> to vector<1024x128xf32>
    %select_n3A_644 = arith.select %lt3A_640, %broadcast_in_dim3A_643, %select_n3A_627 : vector<1024x128xi1>, vector<1024x128xf32>
    %get3A_645 = arith.constant 0 : index
    %get3A_646 = arith.constant 4608 : index
    %get3A_647 = vector.load %arg6[%get3A_645, %get3A_646] : memref<1x8192xf32, #tpu.memory_space<vmem>>, vector<1x128xf32>
    %get3A_648 = vector.shape_cast %get3A_647 : vector<1x128xf32> to vector<128xf32>
    %broadcast_in_dim3A_649 = vector.shape_cast %get3A_648 : vector<128xf32> to vector<1x128xf32>
    %add3A_650 = vector.broadcast %broadcast_in_dim3A_649 : vector<1x128xf32> to vector<1024x128xf32>
    %add3A_651 = arith.addf %broadcast_in_dim3A_7, %add3A_650 : vector<1024x128xf32>
    %slice3A_652 = vector.extract_strided_slice %dot_general3A_576 {offsets = [0, 512], sizes = [1024, 128], strides = [1, 1]} : vector<1024x1024xf32> to vector<1024x128xf32>
    %add3A_653 = arith.addf %add3A_651, %slice3A_652 : vector<1024x128xf32>
    %add3A_654 = arith.constant 4.608000e+03 : f32
    %add3A_655 = vector.broadcast %add3A_654 : f32 to vector<1x128xf32>
    %add3A_656 = arith.addf %convert_element_type3A_8, %add3A_655 : vector<1x128xf32>
    %lt3A_657 = arith.cmpf olt, %add3A_653, %select_n3A_641 : vector<1024x128xf32>
    %select_n3A_658 = arith.select %lt3A_657, %add3A_653, %select_n3A_641 : vector<1024x128xi1>, vector<1024x128xf32>
    %broadcast_in_dim3A_659 = vector.shape_cast %add3A_656 : vector<1x128xf32> to vector<1x128xf32>
    %broadcast_in_dim3A_660 = vector.broadcast %broadcast_in_dim3A_659 : vector<1x128xf32> to vector<1024x128xf32>
    %select_n3A_661 = arith.select %lt3A_657, %broadcast_in_dim3A_660, %select_n3A_644 : vector<1024x128xi1>, vector<1024x128xf32>
    %get3A_662 = arith.constant 0 : index
    %get3A_663 = arith.constant 4736 : index
    %get3A_664 = vector.load %arg6[%get3A_662, %get3A_663] : memref<1x8192xf32, #tpu.memory_space<vmem>>, vector<1x128xf32>
    %get3A_665 = vector.shape_cast %get3A_664 : vector<1x128xf32> to vector<128xf32>
    %broadcast_in_dim3A_666 = vector.shape_cast %get3A_665 : vector<128xf32> to vector<1x128xf32>
    %add3A_667 = vector.broadcast %broadcast_in_dim3A_666 : vector<1x128xf32> to vector<1024x128xf32>
    %add3A_668 = arith.addf %broadcast_in_dim3A_7, %add3A_667 : vector<1024x128xf32>
    %slice3A_669 = vector.extract_strided_slice %dot_general3A_576 {offsets = [0, 640], sizes = [1024, 128], strides = [1, 1]} : vector<1024x1024xf32> to vector<1024x128xf32>
    %add3A_670 = arith.addf %add3A_668, %slice3A_669 : vector<1024x128xf32>
    %add3A_671 = arith.constant 4.736000e+03 : f32
    %add3A_672 = vector.broadcast %add3A_671 : f32 to vector<1x128xf32>
    %add3A_673 = arith.addf %convert_element_type3A_8, %add3A_672 : vector<1x128xf32>
    %lt3A_674 = arith.cmpf olt, %add3A_670, %select_n3A_658 : vector<1024x128xf32>
    %select_n3A_675 = arith.select %lt3A_674, %add3A_670, %select_n3A_658 : vector<1024x128xi1>, vector<1024x128xf32>
    %broadcast_in_dim3A_676 = vector.shape_cast %add3A_673 : vector<1x128xf32> to vector<1x128xf32>
    %broadcast_in_dim3A_677 = vector.broadcast %broadcast_in_dim3A_676 : vector<1x128xf32> to vector<1024x128xf32>
    %select_n3A_678 = arith.select %lt3A_674, %broadcast_in_dim3A_677, %select_n3A_661 : vector<1024x128xi1>, vector<1024x128xf32>
    %get3A_679 = arith.constant 0 : index
    %get3A_680 = arith.constant 4864 : index
    %get3A_681 = vector.load %arg6[%get3A_679, %get3A_680] : memref<1x8192xf32, #tpu.memory_space<vmem>>, vector<1x128xf32>
    %get3A_682 = vector.shape_cast %get3A_681 : vector<1x128xf32> to vector<128xf32>
    %broadcast_in_dim3A_683 = vector.shape_cast %get3A_682 : vector<128xf32> to vector<1x128xf32>
    %add3A_684 = vector.broadcast %broadcast_in_dim3A_683 : vector<1x128xf32> to vector<1024x128xf32>
    %add3A_685 = arith.addf %broadcast_in_dim3A_7, %add3A_684 : vector<1024x128xf32>
    %slice3A_686 = vector.extract_strided_slice %dot_general3A_576 {offsets = [0, 768], sizes = [1024, 128], strides = [1, 1]} : vector<1024x1024xf32> to vector<1024x128xf32>
    %add3A_687 = arith.addf %add3A_685, %slice3A_686 : vector<1024x128xf32>
    %add3A_688 = arith.constant 4.864000e+03 : f32
    %add3A_689 = vector.broadcast %add3A_688 : f32 to vector<1x128xf32>
    %add3A_690 = arith.addf %convert_element_type3A_8, %add3A_689 : vector<1x128xf32>
    %lt3A_691 = arith.cmpf olt, %add3A_687, %select_n3A_675 : vector<1024x128xf32>
    %select_n3A_692 = arith.select %lt3A_691, %add3A_687, %select_n3A_675 : vector<1024x128xi1>, vector<1024x128xf32>
    %broadcast_in_dim3A_693 = vector.shape_cast %add3A_690 : vector<1x128xf32> to vector<1x128xf32>
    %broadcast_in_dim3A_694 = vector.broadcast %broadcast_in_dim3A_693 : vector<1x128xf32> to vector<1024x128xf32>
    %select_n3A_695 = arith.select %lt3A_691, %broadcast_in_dim3A_694, %select_n3A_678 : vector<1024x128xi1>, vector<1024x128xf32>
    %get3A_696 = arith.constant 0 : index
    %get3A_697 = arith.constant 4992 : index
    %get3A_698 = vector.load %arg6[%get3A_696, %get3A_697] : memref<1x8192xf32, #tpu.memory_space<vmem>>, vector<1x128xf32>
    %get3A_699 = vector.shape_cast %get3A_698 : vector<1x128xf32> to vector<128xf32>
    %broadcast_in_dim3A_700 = vector.shape_cast %get3A_699 : vector<128xf32> to vector<1x128xf32>
    %add3A_701 = vector.broadcast %broadcast_in_dim3A_700 : vector<1x128xf32> to vector<1024x128xf32>
    %add3A_702 = arith.addf %broadcast_in_dim3A_7, %add3A_701 : vector<1024x128xf32>
    %slice3A_703 = vector.extract_strided_slice %dot_general3A_576 {offsets = [0, 896], sizes = [1024, 128], strides = [1, 1]} : vector<1024x1024xf32> to vector<1024x128xf32>
    %add3A_704 = arith.addf %add3A_702, %slice3A_703 : vector<1024x128xf32>
    %add3A_705 = arith.constant 4.992000e+03 : f32
    %add3A_706 = vector.broadcast %add3A_705 : f32 to vector<1x128xf32>
    %add3A_707 = arith.addf %convert_element_type3A_8, %add3A_706 : vector<1x128xf32>
    %lt3A_708 = arith.cmpf olt, %add3A_704, %select_n3A_692 : vector<1024x128xf32>
    %select_n3A_709 = arith.select %lt3A_708, %add3A_704, %select_n3A_692 : vector<1024x128xi1>, vector<1024x128xf32>
    %broadcast_in_dim3A_710 = vector.shape_cast %add3A_707 : vector<1x128xf32> to vector<1x128xf32>
    %broadcast_in_dim3A_711 = vector.broadcast %broadcast_in_dim3A_710 : vector<1x128xf32> to vector<1024x128xf32>
    %select_n3A_712 = arith.select %lt3A_708, %broadcast_in_dim3A_711, %select_n3A_695 : vector<1024x128xi1>, vector<1024x128xf32>
    %get3A_713 = arith.constant 5120 : index
    %get3A_714 = arith.constant 0 : index
    %get3A_715 = vector.load %arg5[%get3A_713, %get3A_714] : memref<8192x256xbf16, #tpu.memory_space<vmem>>, vector<1024x256xbf16>
    %dot_general3A_716 = arith.constant dense<0.000000e+00> : vector<1024x1024xf32>
    %dot_general3A_717 = tpu.matmul %convert_element_type3A_4, %get3A_715, %dot_general3A_716 {dimension_numbers = #tpu.dot_dimension_numbers<[1], [1], [0], [0], [0, 0, 1, 0], [], []>, transpose_lhs_hint = false} : vector<1024x256xbf16>, vector<1024x256xbf16>, vector<1024x1024xf32> -> vector<1024x1024xf32>
    %get3A_718 = arith.constant 0 : index
    %get3A_719 = arith.constant 5120 : index
    %get3A_720 = vector.load %arg6[%get3A_718, %get3A_719] : memref<1x8192xf32, #tpu.memory_space<vmem>>, vector<1x128xf32>
    %get3A_721 = vector.shape_cast %get3A_720 : vector<1x128xf32> to vector<128xf32>
    %broadcast_in_dim3A_722 = vector.shape_cast %get3A_721 : vector<128xf32> to vector<1x128xf32>
    %add3A_723 = vector.broadcast %broadcast_in_dim3A_722 : vector<1x128xf32> to vector<1024x128xf32>
    %add3A_724 = arith.addf %broadcast_in_dim3A_7, %add3A_723 : vector<1024x128xf32>
    %slice3A_725 = vector.extract_strided_slice %dot_general3A_717 {offsets = [0, 0], sizes = [1024, 128], strides = [1, 1]} : vector<1024x1024xf32> to vector<1024x128xf32>
    %add3A_726 = arith.addf %add3A_724, %slice3A_725 : vector<1024x128xf32>
    %add3A_727 = arith.constant 5.120000e+03 : f32
    %add3A_728 = vector.broadcast %add3A_727 : f32 to vector<1x128xf32>
    %add3A_729 = arith.addf %convert_element_type3A_8, %add3A_728 : vector<1x128xf32>
    %lt3A_730 = arith.cmpf olt, %add3A_726, %select_n3A_709 : vector<1024x128xf32>
    %select_n3A_731 = arith.select %lt3A_730, %add3A_726, %select_n3A_709 : vector<1024x128xi1>, vector<1024x128xf32>
    %broadcast_in_dim3A_732 = vector.shape_cast %add3A_729 : vector<1x128xf32> to vector<1x128xf32>
    %broadcast_in_dim3A_733 = vector.broadcast %broadcast_in_dim3A_732 : vector<1x128xf32> to vector<1024x128xf32>
    %select_n3A_734 = arith.select %lt3A_730, %broadcast_in_dim3A_733, %select_n3A_712 : vector<1024x128xi1>, vector<1024x128xf32>
    %get3A_735 = arith.constant 0 : index
    %get3A_736 = arith.constant 5248 : index
    %get3A_737 = vector.load %arg6[%get3A_735, %get3A_736] : memref<1x8192xf32, #tpu.memory_space<vmem>>, vector<1x128xf32>
    %get3A_738 = vector.shape_cast %get3A_737 : vector<1x128xf32> to vector<128xf32>
    %broadcast_in_dim3A_739 = vector.shape_cast %get3A_738 : vector<128xf32> to vector<1x128xf32>
    %add3A_740 = vector.broadcast %broadcast_in_dim3A_739 : vector<1x128xf32> to vector<1024x128xf32>
    %add3A_741 = arith.addf %broadcast_in_dim3A_7, %add3A_740 : vector<1024x128xf32>
    %slice3A_742 = vector.extract_strided_slice %dot_general3A_717 {offsets = [0, 128], sizes = [1024, 128], strides = [1, 1]} : vector<1024x1024xf32> to vector<1024x128xf32>
    %add3A_743 = arith.addf %add3A_741, %slice3A_742 : vector<1024x128xf32>
    %add3A_744 = arith.constant 5.248000e+03 : f32
    %add3A_745 = vector.broadcast %add3A_744 : f32 to vector<1x128xf32>
    %add3A_746 = arith.addf %convert_element_type3A_8, %add3A_745 : vector<1x128xf32>
    %lt3A_747 = arith.cmpf olt, %add3A_743, %select_n3A_731 : vector<1024x128xf32>
    %select_n3A_748 = arith.select %lt3A_747, %add3A_743, %select_n3A_731 : vector<1024x128xi1>, vector<1024x128xf32>
    %broadcast_in_dim3A_749 = vector.shape_cast %add3A_746 : vector<1x128xf32> to vector<1x128xf32>
    %broadcast_in_dim3A_750 = vector.broadcast %broadcast_in_dim3A_749 : vector<1x128xf32> to vector<1024x128xf32>
    %select_n3A_751 = arith.select %lt3A_747, %broadcast_in_dim3A_750, %select_n3A_734 : vector<1024x128xi1>, vector<1024x128xf32>
    %get3A_752 = arith.constant 0 : index
    %get3A_753 = arith.constant 5376 : index
    %get3A_754 = vector.load %arg6[%get3A_752, %get3A_753] : memref<1x8192xf32, #tpu.memory_space<vmem>>, vector<1x128xf32>
    %get3A_755 = vector.shape_cast %get3A_754 : vector<1x128xf32> to vector<128xf32>
    %broadcast_in_dim3A_756 = vector.shape_cast %get3A_755 : vector<128xf32> to vector<1x128xf32>
    %add3A_757 = vector.broadcast %broadcast_in_dim3A_756 : vector<1x128xf32> to vector<1024x128xf32>
    %add3A_758 = arith.addf %broadcast_in_dim3A_7, %add3A_757 : vector<1024x128xf32>
    %slice3A_759 = vector.extract_strided_slice %dot_general3A_717 {offsets = [0, 256], sizes = [1024, 128], strides = [1, 1]} : vector<1024x1024xf32> to vector<1024x128xf32>
    %add3A_760 = arith.addf %add3A_758, %slice3A_759 : vector<1024x128xf32>
    %add3A_761 = arith.constant 5.376000e+03 : f32
    %add3A_762 = vector.broadcast %add3A_761 : f32 to vector<1x128xf32>
    %add3A_763 = arith.addf %convert_element_type3A_8, %add3A_762 : vector<1x128xf32>
    %lt3A_764 = arith.cmpf olt, %add3A_760, %select_n3A_748 : vector<1024x128xf32>
    %select_n3A_765 = arith.select %lt3A_764, %add3A_760, %select_n3A_748 : vector<1024x128xi1>, vector<1024x128xf32>
    %broadcast_in_dim3A_766 = vector.shape_cast %add3A_763 : vector<1x128xf32> to vector<1x128xf32>
    %broadcast_in_dim3A_767 = vector.broadcast %broadcast_in_dim3A_766 : vector<1x128xf32> to vector<1024x128xf32>
    %select_n3A_768 = arith.select %lt3A_764, %broadcast_in_dim3A_767, %select_n3A_751 : vector<1024x128xi1>, vector<1024x128xf32>
    %get3A_769 = arith.constant 0 : index
    %get3A_770 = arith.constant 5504 : index
    %get3A_771 = vector.load %arg6[%get3A_769, %get3A_770] : memref<1x8192xf32, #tpu.memory_space<vmem>>, vector<1x128xf32>
    %get3A_772 = vector.shape_cast %get3A_771 : vector<1x128xf32> to vector<128xf32>
    %broadcast_in_dim3A_773 = vector.shape_cast %get3A_772 : vector<128xf32> to vector<1x128xf32>
    %add3A_774 = vector.broadcast %broadcast_in_dim3A_773 : vector<1x128xf32> to vector<1024x128xf32>
    %add3A_775 = arith.addf %broadcast_in_dim3A_7, %add3A_774 : vector<1024x128xf32>
    %slice3A_776 = vector.extract_strided_slice %dot_general3A_717 {offsets = [0, 384], sizes = [1024, 128], strides = [1, 1]} : vector<1024x1024xf32> to vector<1024x128xf32>
    %add3A_777 = arith.addf %add3A_775, %slice3A_776 : vector<1024x128xf32>
    %add3A_778 = arith.constant 5.504000e+03 : f32
    %add3A_779 = vector.broadcast %add3A_778 : f32 to vector<1x128xf32>
    %add3A_780 = arith.addf %convert_element_type3A_8, %add3A_779 : vector<1x128xf32>
    %lt3A_781 = arith.cmpf olt, %add3A_777, %select_n3A_765 : vector<1024x128xf32>
    %select_n3A_782 = arith.select %lt3A_781, %add3A_777, %select_n3A_765 : vector<1024x128xi1>, vector<1024x128xf32>
    %broadcast_in_dim3A_783 = vector.shape_cast %add3A_780 : vector<1x128xf32> to vector<1x128xf32>
    %broadcast_in_dim3A_784 = vector.broadcast %broadcast_in_dim3A_783 : vector<1x128xf32> to vector<1024x128xf32>
    %select_n3A_785 = arith.select %lt3A_781, %broadcast_in_dim3A_784, %select_n3A_768 : vector<1024x128xi1>, vector<1024x128xf32>
    %get3A_786 = arith.constant 0 : index
    %get3A_787 = arith.constant 5632 : index
    %get3A_788 = vector.load %arg6[%get3A_786, %get3A_787] : memref<1x8192xf32, #tpu.memory_space<vmem>>, vector<1x128xf32>
    %get3A_789 = vector.shape_cast %get3A_788 : vector<1x128xf32> to vector<128xf32>
    %broadcast_in_dim3A_790 = vector.shape_cast %get3A_789 : vector<128xf32> to vector<1x128xf32>
    %add3A_791 = vector.broadcast %broadcast_in_dim3A_790 : vector<1x128xf32> to vector<1024x128xf32>
    %add3A_792 = arith.addf %broadcast_in_dim3A_7, %add3A_791 : vector<1024x128xf32>
    %slice3A_793 = vector.extract_strided_slice %dot_general3A_717 {offsets = [0, 512], sizes = [1024, 128], strides = [1, 1]} : vector<1024x1024xf32> to vector<1024x128xf32>
    %add3A_794 = arith.addf %add3A_792, %slice3A_793 : vector<1024x128xf32>
    %add3A_795 = arith.constant 5.632000e+03 : f32
    %add3A_796 = vector.broadcast %add3A_795 : f32 to vector<1x128xf32>
    %add3A_797 = arith.addf %convert_element_type3A_8, %add3A_796 : vector<1x128xf32>
    %lt3A_798 = arith.cmpf olt, %add3A_794, %select_n3A_782 : vector<1024x128xf32>
    %select_n3A_799 = arith.select %lt3A_798, %add3A_794, %select_n3A_782 : vector<1024x128xi1>, vector<1024x128xf32>
    %broadcast_in_dim3A_800 = vector.shape_cast %add3A_797 : vector<1x128xf32> to vector<1x128xf32>
    %broadcast_in_dim3A_801 = vector.broadcast %broadcast_in_dim3A_800 : vector<1x128xf32> to vector<1024x128xf32>
    %select_n3A_802 = arith.select %lt3A_798, %broadcast_in_dim3A_801, %select_n3A_785 : vector<1024x128xi1>, vector<1024x128xf32>
    %get3A_803 = arith.constant 0 : index
    %get3A_804 = arith.constant 5760 : index
    %get3A_805 = vector.load %arg6[%get3A_803, %get3A_804] : memref<1x8192xf32, #tpu.memory_space<vmem>>, vector<1x128xf32>
    %get3A_806 = vector.shape_cast %get3A_805 : vector<1x128xf32> to vector<128xf32>
    %broadcast_in_dim3A_807 = vector.shape_cast %get3A_806 : vector<128xf32> to vector<1x128xf32>
    %add3A_808 = vector.broadcast %broadcast_in_dim3A_807 : vector<1x128xf32> to vector<1024x128xf32>
    %add3A_809 = arith.addf %broadcast_in_dim3A_7, %add3A_808 : vector<1024x128xf32>
    %slice3A_810 = vector.extract_strided_slice %dot_general3A_717 {offsets = [0, 640], sizes = [1024, 128], strides = [1, 1]} : vector<1024x1024xf32> to vector<1024x128xf32>
    %add3A_811 = arith.addf %add3A_809, %slice3A_810 : vector<1024x128xf32>
    %add3A_812 = arith.constant 5.760000e+03 : f32
    %add3A_813 = vector.broadcast %add3A_812 : f32 to vector<1x128xf32>
    %add3A_814 = arith.addf %convert_element_type3A_8, %add3A_813 : vector<1x128xf32>
    %lt3A_815 = arith.cmpf olt, %add3A_811, %select_n3A_799 : vector<1024x128xf32>
    %select_n3A_816 = arith.select %lt3A_815, %add3A_811, %select_n3A_799 : vector<1024x128xi1>, vector<1024x128xf32>
    %broadcast_in_dim3A_817 = vector.shape_cast %add3A_814 : vector<1x128xf32> to vector<1x128xf32>
    %broadcast_in_dim3A_818 = vector.broadcast %broadcast_in_dim3A_817 : vector<1x128xf32> to vector<1024x128xf32>
    %select_n3A_819 = arith.select %lt3A_815, %broadcast_in_dim3A_818, %select_n3A_802 : vector<1024x128xi1>, vector<1024x128xf32>
    %get3A_820 = arith.constant 0 : index
    %get3A_821 = arith.constant 5888 : index
    %get3A_822 = vector.load %arg6[%get3A_820, %get3A_821] : memref<1x8192xf32, #tpu.memory_space<vmem>>, vector<1x128xf32>
    %get3A_823 = vector.shape_cast %get3A_822 : vector<1x128xf32> to vector<128xf32>
    %broadcast_in_dim3A_824 = vector.shape_cast %get3A_823 : vector<128xf32> to vector<1x128xf32>
    %add3A_825 = vector.broadcast %broadcast_in_dim3A_824 : vector<1x128xf32> to vector<1024x128xf32>
    %add3A_826 = arith.addf %broadcast_in_dim3A_7, %add3A_825 : vector<1024x128xf32>
    %slice3A_827 = vector.extract_strided_slice %dot_general3A_717 {offsets = [0, 768], sizes = [1024, 128], strides = [1, 1]} : vector<1024x1024xf32> to vector<1024x128xf32>
    %add3A_828 = arith.addf %add3A_826, %slice3A_827 : vector<1024x128xf32>
    %add3A_829 = arith.constant 5.888000e+03 : f32
    %add3A_830 = vector.broadcast %add3A_829 : f32 to vector<1x128xf32>
    %add3A_831 = arith.addf %convert_element_type3A_8, %add3A_830 : vector<1x128xf32>
    %lt3A_832 = arith.cmpf olt, %add3A_828, %select_n3A_816 : vector<1024x128xf32>
    %select_n3A_833 = arith.select %lt3A_832, %add3A_828, %select_n3A_816 : vector<1024x128xi1>, vector<1024x128xf32>
    %broadcast_in_dim3A_834 = vector.shape_cast %add3A_831 : vector<1x128xf32> to vector<1x128xf32>
    %broadcast_in_dim3A_835 = vector.broadcast %broadcast_in_dim3A_834 : vector<1x128xf32> to vector<1024x128xf32>
    %select_n3A_836 = arith.select %lt3A_832, %broadcast_in_dim3A_835, %select_n3A_819 : vector<1024x128xi1>, vector<1024x128xf32>
    %get3A_837 = arith.constant 0 : index
    %get3A_838 = arith.constant 6016 : index
    %get3A_839 = vector.load %arg6[%get3A_837, %get3A_838] : memref<1x8192xf32, #tpu.memory_space<vmem>>, vector<1x128xf32>
    %get3A_840 = vector.shape_cast %get3A_839 : vector<1x128xf32> to vector<128xf32>
    %broadcast_in_dim3A_841 = vector.shape_cast %get3A_840 : vector<128xf32> to vector<1x128xf32>
    %add3A_842 = vector.broadcast %broadcast_in_dim3A_841 : vector<1x128xf32> to vector<1024x128xf32>
    %add3A_843 = arith.addf %broadcast_in_dim3A_7, %add3A_842 : vector<1024x128xf32>
    %slice3A_844 = vector.extract_strided_slice %dot_general3A_717 {offsets = [0, 896], sizes = [1024, 128], strides = [1, 1]} : vector<1024x1024xf32> to vector<1024x128xf32>
    %add3A_845 = arith.addf %add3A_843, %slice3A_844 : vector<1024x128xf32>
    %add3A_846 = arith.constant 6.016000e+03 : f32
    %add3A_847 = vector.broadcast %add3A_846 : f32 to vector<1x128xf32>
    %add3A_848 = arith.addf %convert_element_type3A_8, %add3A_847 : vector<1x128xf32>
    %lt3A_849 = arith.cmpf olt, %add3A_845, %select_n3A_833 : vector<1024x128xf32>
    %select_n3A_850 = arith.select %lt3A_849, %add3A_845, %select_n3A_833 : vector<1024x128xi1>, vector<1024x128xf32>
    %broadcast_in_dim3A_851 = vector.shape_cast %add3A_848 : vector<1x128xf32> to vector<1x128xf32>
    %broadcast_in_dim3A_852 = vector.broadcast %broadcast_in_dim3A_851 : vector<1x128xf32> to vector<1024x128xf32>
    %select_n3A_853 = arith.select %lt3A_849, %broadcast_in_dim3A_852, %select_n3A_836 : vector<1024x128xi1>, vector<1024x128xf32>
    %get3A_854 = arith.constant 6144 : index
    %get3A_855 = arith.constant 0 : index
    %get3A_856 = vector.load %arg5[%get3A_854, %get3A_855] : memref<8192x256xbf16, #tpu.memory_space<vmem>>, vector<1024x256xbf16>
    %dot_general3A_857 = arith.constant dense<0.000000e+00> : vector<1024x1024xf32>
    %dot_general3A_858 = tpu.matmul %convert_element_type3A_4, %get3A_856, %dot_general3A_857 {dimension_numbers = #tpu.dot_dimension_numbers<[1], [1], [0], [0], [0, 0, 1, 0], [], []>, transpose_lhs_hint = false} : vector<1024x256xbf16>, vector<1024x256xbf16>, vector<1024x1024xf32> -> vector<1024x1024xf32>
    %get3A_859 = arith.constant 0 : index
    %get3A_860 = arith.constant 6144 : index
    %get3A_861 = vector.load %arg6[%get3A_859, %get3A_860] : memref<1x8192xf32, #tpu.memory_space<vmem>>, vector<1x128xf32>
    %get3A_862 = vector.shape_cast %get3A_861 : vector<1x128xf32> to vector<128xf32>
    %broadcast_in_dim3A_863 = vector.shape_cast %get3A_862 : vector<128xf32> to vector<1x128xf32>
    %add3A_864 = vector.broadcast %broadcast_in_dim3A_863 : vector<1x128xf32> to vector<1024x128xf32>
    %add3A_865 = arith.addf %broadcast_in_dim3A_7, %add3A_864 : vector<1024x128xf32>
    %slice3A_866 = vector.extract_strided_slice %dot_general3A_858 {offsets = [0, 0], sizes = [1024, 128], strides = [1, 1]} : vector<1024x1024xf32> to vector<1024x128xf32>
    %add3A_867 = arith.addf %add3A_865, %slice3A_866 : vector<1024x128xf32>
    %add3A_868 = arith.constant 6.144000e+03 : f32
    %add3A_869 = vector.broadcast %add3A_868 : f32 to vector<1x128xf32>
    %add3A_870 = arith.addf %convert_element_type3A_8, %add3A_869 : vector<1x128xf32>
    %lt3A_871 = arith.cmpf olt, %add3A_867, %select_n3A_850 : vector<1024x128xf32>
    %select_n3A_872 = arith.select %lt3A_871, %add3A_867, %select_n3A_850 : vector<1024x128xi1>, vector<1024x128xf32>
    %broadcast_in_dim3A_873 = vector.shape_cast %add3A_870 : vector<1x128xf32> to vector<1x128xf32>
    %broadcast_in_dim3A_874 = vector.broadcast %broadcast_in_dim3A_873 : vector<1x128xf32> to vector<1024x128xf32>
    %select_n3A_875 = arith.select %lt3A_871, %broadcast_in_dim3A_874, %select_n3A_853 : vector<1024x128xi1>, vector<1024x128xf32>
    %get3A_876 = arith.constant 0 : index
    %get3A_877 = arith.constant 6272 : index
    %get3A_878 = vector.load %arg6[%get3A_876, %get3A_877] : memref<1x8192xf32, #tpu.memory_space<vmem>>, vector<1x128xf32>
    %get3A_879 = vector.shape_cast %get3A_878 : vector<1x128xf32> to vector<128xf32>
    %broadcast_in_dim3A_880 = vector.shape_cast %get3A_879 : vector<128xf32> to vector<1x128xf32>
    %add3A_881 = vector.broadcast %broadcast_in_dim3A_880 : vector<1x128xf32> to vector<1024x128xf32>
    %add3A_882 = arith.addf %broadcast_in_dim3A_7, %add3A_881 : vector<1024x128xf32>
    %slice3A_883 = vector.extract_strided_slice %dot_general3A_858 {offsets = [0, 128], sizes = [1024, 128], strides = [1, 1]} : vector<1024x1024xf32> to vector<1024x128xf32>
    %add3A_884 = arith.addf %add3A_882, %slice3A_883 : vector<1024x128xf32>
    %add3A_885 = arith.constant 6.272000e+03 : f32
    %add3A_886 = vector.broadcast %add3A_885 : f32 to vector<1x128xf32>
    %add3A_887 = arith.addf %convert_element_type3A_8, %add3A_886 : vector<1x128xf32>
    %lt3A_888 = arith.cmpf olt, %add3A_884, %select_n3A_872 : vector<1024x128xf32>
    %select_n3A_889 = arith.select %lt3A_888, %add3A_884, %select_n3A_872 : vector<1024x128xi1>, vector<1024x128xf32>
    %broadcast_in_dim3A_890 = vector.shape_cast %add3A_887 : vector<1x128xf32> to vector<1x128xf32>
    %broadcast_in_dim3A_891 = vector.broadcast %broadcast_in_dim3A_890 : vector<1x128xf32> to vector<1024x128xf32>
    %select_n3A_892 = arith.select %lt3A_888, %broadcast_in_dim3A_891, %select_n3A_875 : vector<1024x128xi1>, vector<1024x128xf32>
    %get3A_893 = arith.constant 0 : index
    %get3A_894 = arith.constant 6400 : index
    %get3A_895 = vector.load %arg6[%get3A_893, %get3A_894] : memref<1x8192xf32, #tpu.memory_space<vmem>>, vector<1x128xf32>
    %get3A_896 = vector.shape_cast %get3A_895 : vector<1x128xf32> to vector<128xf32>
    %broadcast_in_dim3A_897 = vector.shape_cast %get3A_896 : vector<128xf32> to vector<1x128xf32>
    %add3A_898 = vector.broadcast %broadcast_in_dim3A_897 : vector<1x128xf32> to vector<1024x128xf32>
    %add3A_899 = arith.addf %broadcast_in_dim3A_7, %add3A_898 : vector<1024x128xf32>
    %slice3A_900 = vector.extract_strided_slice %dot_general3A_858 {offsets = [0, 256], sizes = [1024, 128], strides = [1, 1]} : vector<1024x1024xf32> to vector<1024x128xf32>
    %add3A_901 = arith.addf %add3A_899, %slice3A_900 : vector<1024x128xf32>
    %add3A_902 = arith.constant 6.400000e+03 : f32
    %add3A_903 = vector.broadcast %add3A_902 : f32 to vector<1x128xf32>
    %add3A_904 = arith.addf %convert_element_type3A_8, %add3A_903 : vector<1x128xf32>
    %lt3A_905 = arith.cmpf olt, %add3A_901, %select_n3A_889 : vector<1024x128xf32>
    %select_n3A_906 = arith.select %lt3A_905, %add3A_901, %select_n3A_889 : vector<1024x128xi1>, vector<1024x128xf32>
    %broadcast_in_dim3A_907 = vector.shape_cast %add3A_904 : vector<1x128xf32> to vector<1x128xf32>
    %broadcast_in_dim3A_908 = vector.broadcast %broadcast_in_dim3A_907 : vector<1x128xf32> to vector<1024x128xf32>
    %select_n3A_909 = arith.select %lt3A_905, %broadcast_in_dim3A_908, %select_n3A_892 : vector<1024x128xi1>, vector<1024x128xf32>
    %get3A_910 = arith.constant 0 : index
    %get3A_911 = arith.constant 6528 : index
    %get3A_912 = vector.load %arg6[%get3A_910, %get3A_911] : memref<1x8192xf32, #tpu.memory_space<vmem>>, vector<1x128xf32>
    %get3A_913 = vector.shape_cast %get3A_912 : vector<1x128xf32> to vector<128xf32>
    %broadcast_in_dim3A_914 = vector.shape_cast %get3A_913 : vector<128xf32> to vector<1x128xf32>
    %add3A_915 = vector.broadcast %broadcast_in_dim3A_914 : vector<1x128xf32> to vector<1024x128xf32>
    %add3A_916 = arith.addf %broadcast_in_dim3A_7, %add3A_915 : vector<1024x128xf32>
    %slice3A_917 = vector.extract_strided_slice %dot_general3A_858 {offsets = [0, 384], sizes = [1024, 128], strides = [1, 1]} : vector<1024x1024xf32> to vector<1024x128xf32>
    %add3A_918 = arith.addf %add3A_916, %slice3A_917 : vector<1024x128xf32>
    %add3A_919 = arith.constant 6.528000e+03 : f32
    %add3A_920 = vector.broadcast %add3A_919 : f32 to vector<1x128xf32>
    %add3A_921 = arith.addf %convert_element_type3A_8, %add3A_920 : vector<1x128xf32>
    %lt3A_922 = arith.cmpf olt, %add3A_918, %select_n3A_906 : vector<1024x128xf32>
    %select_n3A_923 = arith.select %lt3A_922, %add3A_918, %select_n3A_906 : vector<1024x128xi1>, vector<1024x128xf32>
    %broadcast_in_dim3A_924 = vector.shape_cast %add3A_921 : vector<1x128xf32> to vector<1x128xf32>
    %broadcast_in_dim3A_925 = vector.broadcast %broadcast_in_dim3A_924 : vector<1x128xf32> to vector<1024x128xf32>
    %select_n3A_926 = arith.select %lt3A_922, %broadcast_in_dim3A_925, %select_n3A_909 : vector<1024x128xi1>, vector<1024x128xf32>
    %get3A_927 = arith.constant 0 : index
    %get3A_928 = arith.constant 6656 : index
    %get3A_929 = vector.load %arg6[%get3A_927, %get3A_928] : memref<1x8192xf32, #tpu.memory_space<vmem>>, vector<1x128xf32>
    %get3A_930 = vector.shape_cast %get3A_929 : vector<1x128xf32> to vector<128xf32>
    %broadcast_in_dim3A_931 = vector.shape_cast %get3A_930 : vector<128xf32> to vector<1x128xf32>
    %add3A_932 = vector.broadcast %broadcast_in_dim3A_931 : vector<1x128xf32> to vector<1024x128xf32>
    %add3A_933 = arith.addf %broadcast_in_dim3A_7, %add3A_932 : vector<1024x128xf32>
    %slice3A_934 = vector.extract_strided_slice %dot_general3A_858 {offsets = [0, 512], sizes = [1024, 128], strides = [1, 1]} : vector<1024x1024xf32> to vector<1024x128xf32>
    %add3A_935 = arith.addf %add3A_933, %slice3A_934 : vector<1024x128xf32>
    %add3A_936 = arith.constant 6.656000e+03 : f32
    %add3A_937 = vector.broadcast %add3A_936 : f32 to vector<1x128xf32>
    %add3A_938 = arith.addf %convert_element_type3A_8, %add3A_937 : vector<1x128xf32>
    %lt3A_939 = arith.cmpf olt, %add3A_935, %select_n3A_923 : vector<1024x128xf32>
    %select_n3A_940 = arith.select %lt3A_939, %add3A_935, %select_n3A_923 : vector<1024x128xi1>, vector<1024x128xf32>
    %broadcast_in_dim3A_941 = vector.shape_cast %add3A_938 : vector<1x128xf32> to vector<1x128xf32>
    %broadcast_in_dim3A_942 = vector.broadcast %broadcast_in_dim3A_941 : vector<1x128xf32> to vector<1024x128xf32>
    %select_n3A_943 = arith.select %lt3A_939, %broadcast_in_dim3A_942, %select_n3A_926 : vector<1024x128xi1>, vector<1024x128xf32>
    %get3A_944 = arith.constant 0 : index
    %get3A_945 = arith.constant 6784 : index
    %get3A_946 = vector.load %arg6[%get3A_944, %get3A_945] : memref<1x8192xf32, #tpu.memory_space<vmem>>, vector<1x128xf32>
    %get3A_947 = vector.shape_cast %get3A_946 : vector<1x128xf32> to vector<128xf32>
    %broadcast_in_dim3A_948 = vector.shape_cast %get3A_947 : vector<128xf32> to vector<1x128xf32>
    %add3A_949 = vector.broadcast %broadcast_in_dim3A_948 : vector<1x128xf32> to vector<1024x128xf32>
    %add3A_950 = arith.addf %broadcast_in_dim3A_7, %add3A_949 : vector<1024x128xf32>
    %slice3A_951 = vector.extract_strided_slice %dot_general3A_858 {offsets = [0, 640], sizes = [1024, 128], strides = [1, 1]} : vector<1024x1024xf32> to vector<1024x128xf32>
    %add3A_952 = arith.addf %add3A_950, %slice3A_951 : vector<1024x128xf32>
    %add3A_953 = arith.constant 6.784000e+03 : f32
    %add3A_954 = vector.broadcast %add3A_953 : f32 to vector<1x128xf32>
    %add3A_955 = arith.addf %convert_element_type3A_8, %add3A_954 : vector<1x128xf32>
    %lt3A_956 = arith.cmpf olt, %add3A_952, %select_n3A_940 : vector<1024x128xf32>
    %select_n3A_957 = arith.select %lt3A_956, %add3A_952, %select_n3A_940 : vector<1024x128xi1>, vector<1024x128xf32>
    %broadcast_in_dim3A_958 = vector.shape_cast %add3A_955 : vector<1x128xf32> to vector<1x128xf32>
    %broadcast_in_dim3A_959 = vector.broadcast %broadcast_in_dim3A_958 : vector<1x128xf32> to vector<1024x128xf32>
    %select_n3A_960 = arith.select %lt3A_956, %broadcast_in_dim3A_959, %select_n3A_943 : vector<1024x128xi1>, vector<1024x128xf32>
    %get3A_961 = arith.constant 0 : index
    %get3A_962 = arith.constant 6912 : index
    %get3A_963 = vector.load %arg6[%get3A_961, %get3A_962] : memref<1x8192xf32, #tpu.memory_space<vmem>>, vector<1x128xf32>
    %get3A_964 = vector.shape_cast %get3A_963 : vector<1x128xf32> to vector<128xf32>
    %broadcast_in_dim3A_965 = vector.shape_cast %get3A_964 : vector<128xf32> to vector<1x128xf32>
    %add3A_966 = vector.broadcast %broadcast_in_dim3A_965 : vector<1x128xf32> to vector<1024x128xf32>
    %add3A_967 = arith.addf %broadcast_in_dim3A_7, %add3A_966 : vector<1024x128xf32>
    %slice3A_968 = vector.extract_strided_slice %dot_general3A_858 {offsets = [0, 768], sizes = [1024, 128], strides = [1, 1]} : vector<1024x1024xf32> to vector<1024x128xf32>
    %add3A_969 = arith.addf %add3A_967, %slice3A_968 : vector<1024x128xf32>
    %add3A_970 = arith.constant 6.912000e+03 : f32
    %add3A_971 = vector.broadcast %add3A_970 : f32 to vector<1x128xf32>
    %add3A_972 = arith.addf %convert_element_type3A_8, %add3A_971 : vector<1x128xf32>
    %lt3A_973 = arith.cmpf olt, %add3A_969, %select_n3A_957 : vector<1024x128xf32>
    %select_n3A_974 = arith.select %lt3A_973, %add3A_969, %select_n3A_957 : vector<1024x128xi1>, vector<1024x128xf32>
    %broadcast_in_dim3A_975 = vector.shape_cast %add3A_972 : vector<1x128xf32> to vector<1x128xf32>
    %broadcast_in_dim3A_976 = vector.broadcast %broadcast_in_dim3A_975 : vector<1x128xf32> to vector<1024x128xf32>
    %select_n3A_977 = arith.select %lt3A_973, %broadcast_in_dim3A_976, %select_n3A_960 : vector<1024x128xi1>, vector<1024x128xf32>
    %get3A_978 = arith.constant 0 : index
    %get3A_979 = arith.constant 7040 : index
    %get3A_980 = vector.load %arg6[%get3A_978, %get3A_979] : memref<1x8192xf32, #tpu.memory_space<vmem>>, vector<1x128xf32>
    %get3A_981 = vector.shape_cast %get3A_980 : vector<1x128xf32> to vector<128xf32>
    %broadcast_in_dim3A_982 = vector.shape_cast %get3A_981 : vector<128xf32> to vector<1x128xf32>
    %add3A_983 = vector.broadcast %broadcast_in_dim3A_982 : vector<1x128xf32> to vector<1024x128xf32>
    %add3A_984 = arith.addf %broadcast_in_dim3A_7, %add3A_983 : vector<1024x128xf32>
    %slice3A_985 = vector.extract_strided_slice %dot_general3A_858 {offsets = [0, 896], sizes = [1024, 128], strides = [1, 1]} : vector<1024x1024xf32> to vector<1024x128xf32>
    %add3A_986 = arith.addf %add3A_984, %slice3A_985 : vector<1024x128xf32>
    %add3A_987 = arith.constant 7.040000e+03 : f32
    %add3A_988 = vector.broadcast %add3A_987 : f32 to vector<1x128xf32>
    %add3A_989 = arith.addf %convert_element_type3A_8, %add3A_988 : vector<1x128xf32>
    %lt3A_990 = arith.cmpf olt, %add3A_986, %select_n3A_974 : vector<1024x128xf32>
    %select_n3A_991 = arith.select %lt3A_990, %add3A_986, %select_n3A_974 : vector<1024x128xi1>, vector<1024x128xf32>
    %broadcast_in_dim3A_992 = vector.shape_cast %add3A_989 : vector<1x128xf32> to vector<1x128xf32>
    %broadcast_in_dim3A_993 = vector.broadcast %broadcast_in_dim3A_992 : vector<1x128xf32> to vector<1024x128xf32>
    %select_n3A_994 = arith.select %lt3A_990, %broadcast_in_dim3A_993, %select_n3A_977 : vector<1024x128xi1>, vector<1024x128xf32>
    %get3A_995 = arith.constant 7168 : index
    %get3A_996 = arith.constant 0 : index
    %get3A_997 = vector.load %arg5[%get3A_995, %get3A_996] : memref<8192x256xbf16, #tpu.memory_space<vmem>>, vector<1024x256xbf16>
    %dot_general3A_998 = arith.constant dense<0.000000e+00> : vector<1024x1024xf32>
    %dot_general3A_999 = tpu.matmul %convert_element_type3A_4, %get3A_997, %dot_general3A_998 {dimension_numbers = #tpu.dot_dimension_numbers<[1], [1], [0], [0], [0, 0, 1, 0], [], []>, transpose_lhs_hint = false} : vector<1024x256xbf16>, vector<1024x256xbf16>, vector<1024x1024xf32> -> vector<1024x1024xf32>
    %get3A_1000 = arith.constant 0 : index
    %get3A_1001 = arith.constant 7168 : index
    %get3A_1002 = vector.load %arg6[%get3A_1000, %get3A_1001] : memref<1x8192xf32, #tpu.memory_space<vmem>>, vector<1x128xf32>
    %get3A_1003 = vector.shape_cast %get3A_1002 : vector<1x128xf32> to vector<128xf32>
    %broadcast_in_dim3A_1004 = vector.shape_cast %get3A_1003 : vector<128xf32> to vector<1x128xf32>
    %add3A_1005 = vector.broadcast %broadcast_in_dim3A_1004 : vector<1x128xf32> to vector<1024x128xf32>
    %add3A_1006 = arith.addf %broadcast_in_dim3A_7, %add3A_1005 : vector<1024x128xf32>
    %slice3A_1007 = vector.extract_strided_slice %dot_general3A_999 {offsets = [0, 0], sizes = [1024, 128], strides = [1, 1]} : vector<1024x1024xf32> to vector<1024x128xf32>
    %add3A_1008 = arith.addf %add3A_1006, %slice3A_1007 : vector<1024x128xf32>
    %add3A_1009 = arith.constant 7.168000e+03 : f32
    %add3A_1010 = vector.broadcast %add3A_1009 : f32 to vector<1x128xf32>
    %add3A_1011 = arith.addf %convert_element_type3A_8, %add3A_1010 : vector<1x128xf32>
    %lt3A_1012 = arith.cmpf olt, %add3A_1008, %select_n3A_991 : vector<1024x128xf32>
    %select_n3A_1013 = arith.select %lt3A_1012, %add3A_1008, %select_n3A_991 : vector<1024x128xi1>, vector<1024x128xf32>
    %broadcast_in_dim3A_1014 = vector.shape_cast %add3A_1011 : vector<1x128xf32> to vector<1x128xf32>
    %broadcast_in_dim3A_1015 = vector.broadcast %broadcast_in_dim3A_1014 : vector<1x128xf32> to vector<1024x128xf32>
    %select_n3A_1016 = arith.select %lt3A_1012, %broadcast_in_dim3A_1015, %select_n3A_994 : vector<1024x128xi1>, vector<1024x128xf32>
    %get3A_1017 = arith.constant 0 : index
    %get3A_1018 = arith.constant 7296 : index
    %get3A_1019 = vector.load %arg6[%get3A_1017, %get3A_1018] : memref<1x8192xf32, #tpu.memory_space<vmem>>, vector<1x128xf32>
    %get3A_1020 = vector.shape_cast %get3A_1019 : vector<1x128xf32> to vector<128xf32>
    %broadcast_in_dim3A_1021 = vector.shape_cast %get3A_1020 : vector<128xf32> to vector<1x128xf32>
    %add3A_1022 = vector.broadcast %broadcast_in_dim3A_1021 : vector<1x128xf32> to vector<1024x128xf32>
    %add3A_1023 = arith.addf %broadcast_in_dim3A_7, %add3A_1022 : vector<1024x128xf32>
    %slice3A_1024 = vector.extract_strided_slice %dot_general3A_999 {offsets = [0, 128], sizes = [1024, 128], strides = [1, 1]} : vector<1024x1024xf32> to vector<1024x128xf32>
    %add3A_1025 = arith.addf %add3A_1023, %slice3A_1024 : vector<1024x128xf32>
    %add3A_1026 = arith.constant 7.296000e+03 : f32
    %add3A_1027 = vector.broadcast %add3A_1026 : f32 to vector<1x128xf32>
    %add3A_1028 = arith.addf %convert_element_type3A_8, %add3A_1027 : vector<1x128xf32>
    %lt3A_1029 = arith.cmpf olt, %add3A_1025, %select_n3A_1013 : vector<1024x128xf32>
    %select_n3A_1030 = arith.select %lt3A_1029, %add3A_1025, %select_n3A_1013 : vector<1024x128xi1>, vector<1024x128xf32>
    %broadcast_in_dim3A_1031 = vector.shape_cast %add3A_1028 : vector<1x128xf32> to vector<1x128xf32>
    %broadcast_in_dim3A_1032 = vector.broadcast %broadcast_in_dim3A_1031 : vector<1x128xf32> to vector<1024x128xf32>
    %select_n3A_1033 = arith.select %lt3A_1029, %broadcast_in_dim3A_1032, %select_n3A_1016 : vector<1024x128xi1>, vector<1024x128xf32>
    %get3A_1034 = arith.constant 0 : index
    %get3A_1035 = arith.constant 7424 : index
    %get3A_1036 = vector.load %arg6[%get3A_1034, %get3A_1035] : memref<1x8192xf32, #tpu.memory_space<vmem>>, vector<1x128xf32>
    %get3A_1037 = vector.shape_cast %get3A_1036 : vector<1x128xf32> to vector<128xf32>
    %broadcast_in_dim3A_1038 = vector.shape_cast %get3A_1037 : vector<128xf32> to vector<1x128xf32>
    %add3A_1039 = vector.broadcast %broadcast_in_dim3A_1038 : vector<1x128xf32> to vector<1024x128xf32>
    %add3A_1040 = arith.addf %broadcast_in_dim3A_7, %add3A_1039 : vector<1024x128xf32>
    %slice3A_1041 = vector.extract_strided_slice %dot_general3A_999 {offsets = [0, 256], sizes = [1024, 128], strides = [1, 1]} : vector<1024x1024xf32> to vector<1024x128xf32>
    %add3A_1042 = arith.addf %add3A_1040, %slice3A_1041 : vector<1024x128xf32>
    %add3A_1043 = arith.constant 7.424000e+03 : f32
    %add3A_1044 = vector.broadcast %add3A_1043 : f32 to vector<1x128xf32>
    %add3A_1045 = arith.addf %convert_element_type3A_8, %add3A_1044 : vector<1x128xf32>
    %lt3A_1046 = arith.cmpf olt, %add3A_1042, %select_n3A_1030 : vector<1024x128xf32>
    %select_n3A_1047 = arith.select %lt3A_1046, %add3A_1042, %select_n3A_1030 : vector<1024x128xi1>, vector<1024x128xf32>
    %broadcast_in_dim3A_1048 = vector.shape_cast %add3A_1045 : vector<1x128xf32> to vector<1x128xf32>
    %broadcast_in_dim3A_1049 = vector.broadcast %broadcast_in_dim3A_1048 : vector<1x128xf32> to vector<1024x128xf32>
    %select_n3A_1050 = arith.select %lt3A_1046, %broadcast_in_dim3A_1049, %select_n3A_1033 : vector<1024x128xi1>, vector<1024x128xf32>
    %get3A_1051 = arith.constant 0 : index
    %get3A_1052 = arith.constant 7552 : index
    %get3A_1053 = vector.load %arg6[%get3A_1051, %get3A_1052] : memref<1x8192xf32, #tpu.memory_space<vmem>>, vector<1x128xf32>
    %get3A_1054 = vector.shape_cast %get3A_1053 : vector<1x128xf32> to vector<128xf32>
    %broadcast_in_dim3A_1055 = vector.shape_cast %get3A_1054 : vector<128xf32> to vector<1x128xf32>
    %add3A_1056 = vector.broadcast %broadcast_in_dim3A_1055 : vector<1x128xf32> to vector<1024x128xf32>
    %add3A_1057 = arith.addf %broadcast_in_dim3A_7, %add3A_1056 : vector<1024x128xf32>
    %slice3A_1058 = vector.extract_strided_slice %dot_general3A_999 {offsets = [0, 384], sizes = [1024, 128], strides = [1, 1]} : vector<1024x1024xf32> to vector<1024x128xf32>
    %add3A_1059 = arith.addf %add3A_1057, %slice3A_1058 : vector<1024x128xf32>
    %add3A_1060 = arith.constant 7.552000e+03 : f32
    %add3A_1061 = vector.broadcast %add3A_1060 : f32 to vector<1x128xf32>
    %add3A_1062 = arith.addf %convert_element_type3A_8, %add3A_1061 : vector<1x128xf32>
    %lt3A_1063 = arith.cmpf olt, %add3A_1059, %select_n3A_1047 : vector<1024x128xf32>
    %select_n3A_1064 = arith.select %lt3A_1063, %add3A_1059, %select_n3A_1047 : vector<1024x128xi1>, vector<1024x128xf32>
    %broadcast_in_dim3A_1065 = vector.shape_cast %add3A_1062 : vector<1x128xf32> to vector<1x128xf32>
    %broadcast_in_dim3A_1066 = vector.broadcast %broadcast_in_dim3A_1065 : vector<1x128xf32> to vector<1024x128xf32>
    %select_n3A_1067 = arith.select %lt3A_1063, %broadcast_in_dim3A_1066, %select_n3A_1050 : vector<1024x128xi1>, vector<1024x128xf32>
    %get3A_1068 = arith.constant 0 : index
    %get3A_1069 = arith.constant 7680 : index
    %get3A_1070 = vector.load %arg6[%get3A_1068, %get3A_1069] : memref<1x8192xf32, #tpu.memory_space<vmem>>, vector<1x128xf32>
    %get3A_1071 = vector.shape_cast %get3A_1070 : vector<1x128xf32> to vector<128xf32>
    %broadcast_in_dim3A_1072 = vector.shape_cast %get3A_1071 : vector<128xf32> to vector<1x128xf32>
    %add3A_1073 = vector.broadcast %broadcast_in_dim3A_1072 : vector<1x128xf32> to vector<1024x128xf32>
    %add3A_1074 = arith.addf %broadcast_in_dim3A_7, %add3A_1073 : vector<1024x128xf32>
    %slice3A_1075 = vector.extract_strided_slice %dot_general3A_999 {offsets = [0, 512], sizes = [1024, 128], strides = [1, 1]} : vector<1024x1024xf32> to vector<1024x128xf32>
    %add3A_1076 = arith.addf %add3A_1074, %slice3A_1075 : vector<1024x128xf32>
    %add3A_1077 = arith.constant 7.680000e+03 : f32
    %add3A_1078 = vector.broadcast %add3A_1077 : f32 to vector<1x128xf32>
    %add3A_1079 = arith.addf %convert_element_type3A_8, %add3A_1078 : vector<1x128xf32>
    %lt3A_1080 = arith.cmpf olt, %add3A_1076, %select_n3A_1064 : vector<1024x128xf32>
    %select_n3A_1081 = arith.select %lt3A_1080, %add3A_1076, %select_n3A_1064 : vector<1024x128xi1>, vector<1024x128xf32>
    %broadcast_in_dim3A_1082 = vector.shape_cast %add3A_1079 : vector<1x128xf32> to vector<1x128xf32>
    %broadcast_in_dim3A_1083 = vector.broadcast %broadcast_in_dim3A_1082 : vector<1x128xf32> to vector<1024x128xf32>
    %select_n3A_1084 = arith.select %lt3A_1080, %broadcast_in_dim3A_1083, %select_n3A_1067 : vector<1024x128xi1>, vector<1024x128xf32>
    %get3A_1085 = arith.constant 0 : index
    %get3A_1086 = arith.constant 7808 : index
    %get3A_1087 = vector.load %arg6[%get3A_1085, %get3A_1086] : memref<1x8192xf32, #tpu.memory_space<vmem>>, vector<1x128xf32>
    %get3A_1088 = vector.shape_cast %get3A_1087 : vector<1x128xf32> to vector<128xf32>
    %broadcast_in_dim3A_1089 = vector.shape_cast %get3A_1088 : vector<128xf32> to vector<1x128xf32>
    %add3A_1090 = vector.broadcast %broadcast_in_dim3A_1089 : vector<1x128xf32> to vector<1024x128xf32>
    %add3A_1091 = arith.addf %broadcast_in_dim3A_7, %add3A_1090 : vector<1024x128xf32>
    %slice3A_1092 = vector.extract_strided_slice %dot_general3A_999 {offsets = [0, 640], sizes = [1024, 128], strides = [1, 1]} : vector<1024x1024xf32> to vector<1024x128xf32>
    %add3A_1093 = arith.addf %add3A_1091, %slice3A_1092 : vector<1024x128xf32>
    %add3A_1094 = arith.constant 7.808000e+03 : f32
    %add3A_1095 = vector.broadcast %add3A_1094 : f32 to vector<1x128xf32>
    %add3A_1096 = arith.addf %convert_element_type3A_8, %add3A_1095 : vector<1x128xf32>
    %lt3A_1097 = arith.cmpf olt, %add3A_1093, %select_n3A_1081 : vector<1024x128xf32>
    %select_n3A_1098 = arith.select %lt3A_1097, %add3A_1093, %select_n3A_1081 : vector<1024x128xi1>, vector<1024x128xf32>
    %broadcast_in_dim3A_1099 = vector.shape_cast %add3A_1096 : vector<1x128xf32> to vector<1x128xf32>
    %broadcast_in_dim3A_1100 = vector.broadcast %broadcast_in_dim3A_1099 : vector<1x128xf32> to vector<1024x128xf32>
    %select_n3A_1101 = arith.select %lt3A_1097, %broadcast_in_dim3A_1100, %select_n3A_1084 : vector<1024x128xi1>, vector<1024x128xf32>
    %get3A_1102 = arith.constant 0 : index
    %get3A_1103 = arith.constant 7936 : index
    %get3A_1104 = vector.load %arg6[%get3A_1102, %get3A_1103] : memref<1x8192xf32, #tpu.memory_space<vmem>>, vector<1x128xf32>
    %get3A_1105 = vector.shape_cast %get3A_1104 : vector<1x128xf32> to vector<128xf32>
    %broadcast_in_dim3A_1106 = vector.shape_cast %get3A_1105 : vector<128xf32> to vector<1x128xf32>
    %add3A_1107 = vector.broadcast %broadcast_in_dim3A_1106 : vector<1x128xf32> to vector<1024x128xf32>
    %add3A_1108 = arith.addf %broadcast_in_dim3A_7, %add3A_1107 : vector<1024x128xf32>
    %slice3A_1109 = vector.extract_strided_slice %dot_general3A_999 {offsets = [0, 768], sizes = [1024, 128], strides = [1, 1]} : vector<1024x1024xf32> to vector<1024x128xf32>
    %add3A_1110 = arith.addf %add3A_1108, %slice3A_1109 : vector<1024x128xf32>
    %add3A_1111 = arith.constant 7.936000e+03 : f32
    %add3A_1112 = vector.broadcast %add3A_1111 : f32 to vector<1x128xf32>
    %add3A_1113 = arith.addf %convert_element_type3A_8, %add3A_1112 : vector<1x128xf32>
    %lt3A_1114 = arith.cmpf olt, %add3A_1110, %select_n3A_1098 : vector<1024x128xf32>
    %select_n3A_1115 = arith.select %lt3A_1114, %add3A_1110, %select_n3A_1098 : vector<1024x128xi1>, vector<1024x128xf32>
    %broadcast_in_dim3A_1116 = vector.shape_cast %add3A_1113 : vector<1x128xf32> to vector<1x128xf32>
    %broadcast_in_dim3A_1117 = vector.broadcast %broadcast_in_dim3A_1116 : vector<1x128xf32> to vector<1024x128xf32>
    %select_n3A_1118 = arith.select %lt3A_1114, %broadcast_in_dim3A_1117, %select_n3A_1101 : vector<1024x128xi1>, vector<1024x128xf32>
    %get3A_1119 = arith.constant 0 : index
    %get3A_1120 = arith.constant 8064 : index
    %get3A_1121 = vector.load %arg6[%get3A_1119, %get3A_1120] : memref<1x8192xf32, #tpu.memory_space<vmem>>, vector<1x128xf32>
    %get3A_1122 = vector.shape_cast %get3A_1121 : vector<1x128xf32> to vector<128xf32>
    %broadcast_in_dim3A_1123 = vector.shape_cast %get3A_1122 : vector<128xf32> to vector<1x128xf32>
    %add3A_1124 = vector.broadcast %broadcast_in_dim3A_1123 : vector<1x128xf32> to vector<1024x128xf32>
    %add3A_1125 = arith.addf %broadcast_in_dim3A_7, %add3A_1124 : vector<1024x128xf32>
    %slice3A_1126 = vector.extract_strided_slice %dot_general3A_999 {offsets = [0, 896], sizes = [1024, 128], strides = [1, 1]} : vector<1024x1024xf32> to vector<1024x128xf32>
    %add3A_1127 = arith.addf %add3A_1125, %slice3A_1126 : vector<1024x128xf32>
    %add3A_1128 = arith.constant 8.064000e+03 : f32
    %add3A_1129 = vector.broadcast %add3A_1128 : f32 to vector<1x128xf32>
    %add3A_1130 = arith.addf %convert_element_type3A_8, %add3A_1129 : vector<1x128xf32>
    %lt3A_1131 = arith.cmpf olt, %add3A_1127, %select_n3A_1115 : vector<1024x128xf32>
    %select_n3A_1132 = arith.select %lt3A_1131, %add3A_1127, %select_n3A_1115 : vector<1024x128xi1>, vector<1024x128xf32>
    %broadcast_in_dim3A_1133 = vector.shape_cast %add3A_1130 : vector<1x128xf32> to vector<1x128xf32>
    %broadcast_in_dim3A_1134 = vector.broadcast %broadcast_in_dim3A_1133 : vector<1x128xf32> to vector<1024x128xf32>
    %select_n3A_1135 = arith.select %lt3A_1131, %broadcast_in_dim3A_1134, %select_n3A_1118 : vector<1024x128xi1>, vector<1024x128xf32>
    %reduce_min3A = arith.constant dense<0x7F800000> : vector<1024xf32>
    %reduce_min3A_1136 = vector.multi_reduction <minimumf>, %select_n3A_1132, %reduce_min3A [1] : vector<1024x128xf32> to vector<1024xf32>
    %broadcast_in_dim3A_1137 = vector.shape_cast %reduce_min3A_1136 : vector<1024xf32> to vector<1024x1xf32>
    %eq3A_1138 = vector.broadcast %broadcast_in_dim3A_1137 : vector<1024x1xf32> to vector<1024x128xf32>
    %eq3A_1139 = arith.cmpf oeq, %select_n3A_1132, %eq3A_1138 : vector<1024x128xf32>
    %jit3A = arith.constant 8.192000e+03 : f32
    %broadcast_in_dim3A_1140 = vector.broadcast %jit3A : f32 to vector<1024x128xf32>
    %select_n3A_1141 = arith.select %eq3A_1139, %select_n3A_1135, %broadcast_in_dim3A_1140 : vector<1024x128xi1>, vector<1024x128xf32>
    %reduce_min3A_1142 = arith.constant dense<0x7F800000> : vector<1024xf32>
    %reduce_min3A_1143 = vector.multi_reduction <minimumf>, %select_n3A_1141, %reduce_min3A_1142 [1] : vector<1024x128xf32> to vector<1024xf32>
    %convert_element_type3A_1144 = arith.fptosi %reduce_min3A_1143 : vector<1024xf32> to vector<1024xi32>
    %reshape3A = vector.shape_cast %convert_element_type3A_1144 : vector<1024xi32> to vector<1x1x1024xi32>
    %swap3A = arith.constant 0 : index
    %swap3A_1145 = arith.constant 0 : index
    %swap3A_1146 = arith.constant 0 : index
    %swap3A_1147 = vector.load %arg3[%swap3A, %swap3A_1145, %swap3A_1146] : memref<1x1x1024xi32, #tpu.memory_space<vmem>>, vector<1x1x1024xi32>
    tpu.vector_store %arg3[%swap3A, %swap3A_1145, %swap3A_1146], %reshape3A {strides = array<i32>} : memref<1x1x1024xi32, #tpu.memory_space<vmem>>, vector<1x1x1024xi32>,
    %get3A_1148 = arith.constant 0 : index
    %get3A_1149 = memref.load %arg7[%get3A_1148] : memref<1xf32, #tpu.memory_space<smem>>
    %reduce_sum3A_1150 = vector.shape_cast %reduce_min3A_1136 : vector<1024xf32> to vector<1x1024xf32>
    %reduce_sum3A_1151 = arith.constant dense<0.000000e+00> : vector<1xf32>
    %reduce_sum3A_1152 = vector.multi_reduction <add>, %reduce_sum3A_1150, %reduce_sum3A_1151 [1] : vector<1x1024xf32> to vector<1xf32>
    %reduce_sum3A_1153 = vector.shape_cast %reduce_sum3A_1152 : vector<1xf32> to vector<1x1xf32>
    %reduce_sum3A_1154 = vector.extract %reduce_sum3A_1153[0, 0] : f32 from vector<1x1xf32>
    %add3A_1155 = arith.addf %get3A_1149, %reduce_sum3A_1154 : f32
    %swap3A_1156 = arith.constant 0 : index
    %swap3A_1157 = memref.load %arg7[%swap3A_1156] : memref<1xf32, #tpu.memory_space<smem>>
    memref.store %add3A_1155, %arg7[%swap3A_1156] : memref<1xf32, #tpu.memory_space<smem>>
    %eq3A_1158 = arith.constant 15 : i32
    %eq3A_1159 = arith.cmpi eq, %arg0, %eq3A_1158 : i32
    %convert_element_type3A_1160 = arith.extui %eq3A_1159 : i1 to i32
    %cond3A_1161 = arith.constant 0 : i32
    %cond3A_1162 = arith.cmpi ne, %convert_element_type3A_1160, %cond3A_1161 : i32
    scf.if %cond3A_1162 {
      %get3A_1163 = arith.constant 0 : index
      %get3A_1164 = memref.load %arg7[%get3A_1163] : memref<1xf32, #tpu.memory_space<smem>>
      %mul3A_1165 = arith.constant 8.344650e-07 : f32
      %mul3A_1166 = arith.mulf %get3A_1164, %mul3A_1165 : f32
      %swap3A_1167 = arith.constant 0 : index
      %swap3A_1168 = memref.load %arg4[%swap3A_1167] : memref<1xf32, #tpu.memory_space<smem>>
      memref.store %mul3A_1166, %arg4[%swap3A_1167] : memref<1xf32, #tpu.memory_space<smem>>
    } else {
    }
    return
  }
  func.func @transform_0(%arg0: i32) -> (i32, i32) {
    %c0_i32 = arith.constant 0 : i32
    %c0_i32_0 = arith.constant 0 : i32
    return %arg0, %c0_i32 : i32, i32
  }
  func.func @transform_1(%arg0: i32) -> (i32, i32) {
    %c0_i32 = arith.constant 0 : i32
    %c0_i32_0 = arith.constant 0 : i32
    %c0_i32_1 = arith.constant 0 : i32
    return %c0_i32, %c0_i32_0 : i32, i32
  }
  func.func @transform_2(%arg0: i32) -> (i32, i32, i32) {
    %c0_i32 = arith.constant 0 : i32
    %c0_i32_0 = arith.constant 0 : i32
    %c0_i32_1 = arith.constant 0 : i32
    return %arg0, %c0_i32, %c0_i32_0 : i32, i32, i32
  }
  func.func @transform_3(%arg0: i32) -> i32 {
    %c0_i32 = arith.constant 0 : i32
    %c0_i32_0 = arith.constant 0 : i32
    return %c0_i32 : i32
  }
}

</mosaic_0001>

<sc_bundles>
// kernel: kernel.4.cloned.1.call-start
scs
__scs_entry_jumppad:
0x0: {  	(pc) =	sbr.rel $0x88, $3  }
0x1: {  	(tag) =	ssettag $0x0;
	lr =	simm.s32 $0x1  }
0x2: {  	[smem:$0x3F9F] =	sst lr;
	_ =	strace $0xD0000000  }
0x3: {  	_ = 	snop  }
0x4: {  	_ = 	snop  }
0x5: {  	_ = 	snop  }
0x6: {  	_ = 	snop  }
0x7: {  	_ = 	snop  }
__scs_overlays_trampoline_lowered:
0x8: {  	[smem:$0x3FAE] =	sst s0  }
0x9: {  	[smem:$0x3FAF] =	sst s1  }
0xa: {  	[smem:$0x3FB0] =	sst s2  }
0xb: {  	[smem:$0x3FB1] =	sst s3  }
0xc: {  	[smem:$0x3FB2] =	sst s4  }
0xd: {  	[smem:$0x3FB3] =	sst s5  }
0xe: {  	[smem:$0x3FB4] =	sst s6  }
0xf: {  	[smem:$0x3FB5] =	sst s7  }
0x10: {  	[smem:$0x3FB6] =	sst s8  }
0x11: {  	[smem:$0x3FB7] =	sst s9;
	s0 =	simm.s32 @!p0 $0x0  }
0x12: {  	s1 =	sld [smem:$0x3F9D];
	s0 =	simm.s32 @p0 $0x1  }
0x13: {  	[smem:$0x3FB8] =	sst s0;
	s0 =	simm.s32 @!p1 $0x0  }
0x14: {  	s2 =	sld [smem:$0x3F9C];
	s0 =	simm.s32 @p1 $0x1  }
0x15: {  	[smem:$0x3FB9] =	sst s0;
	s0 =	simm.s32 @!p2 $0x0  }
0x16: {  	s3 =	sld [smem:$0x3FDB];
	s0 =	simm.s32 @p2 $0x1  }
0x17: {  	s4 =	simm.s32 $0x1BF5;
	[smem:$0x3FBB] =	sst s0  }
0x18: {  	s0 =	sld [smem:$0x3F9E];
	_ =	swait.ge [sflag:s4], $0x0  }
0x19: {  	s7 =	sld [smem:$0x3F9F]  }
0x1a: {  	s8 =	sadd.s32 $0xFFFFE003, lr  }
0x1b: {  	s9 =	sadd.s32 $0xFFFFFEF7, lr;
	s5 =	simm.s32 $0xFFFFFFFF;
	p2 =	slt.u32 s8, $0xFFFFF086  }
0x1c: {  	p1 =	slt.u32 s9, $0xF7A;
	s5 =	simm.s32 @!p2 $0x0  }
0x1d: {  	s5 =	simm.s32 @p1 $0x1;
	p0 =	seq.s32 s7, s2  }
0x1e: {  	s7 =	smul.u32 @!p0 $0xF7A, s2;
	p2 =	seq.s32 @!p0 s5, $0x0  }
0x1f: {  	s9 =	smul.u32 $0xF7A, s1;
	s8 =	simm.s32 @!p0 $0x1BF5;
	p2 =	por !p2, p0  }
0x20: {  	[sflag:s8] =	ssyncset.s32 @!p0 $0xFFFFF086;
	s6 =	sadd.s32 @!p0 s3, s7;
	s7 =	simm.s32 @!p0 $0x108  }
0x21: {  	s3 =	sadd.s32 s3, s9;
	s6 =	sadd.s32 @!p0 $0x88, s6;
	s7 =	simm.s32 @p2 $0x1082  }
0x22: {  	[simem:s7], [sflag:s8] =	dma.local @!p0 [hbm:s6], $0xF7A  }
0x23: {  	s9 =	sor.u32 $0xD0000000, s2;
	s6 =	simm.s32 $0x108;
	_ =	swait.ge @!p0 [sflag:s8], $0x0  }
0x24: {  	s3 =	sadd.s32 $0x88, s3;
	s6 =	simm.s32 @!p1 $0x1082;
	[sflag:s4] =	ssyncset.s32 $0xFFFFF086  }
0x25: {  	[simem:s6], [sflag:s4] =	dma.local [hbm:s3], $0xF7A  }
0x26: {  	[smem:$0x3F9F] =	sst s1;
	(tag) =	ssettag s2;
	_ =	strace s9  }
0x27: {  	s1 =	sld [smem:$0x3FAF]  }
0x28: {  	s2 =	sld [smem:$0x3FB0]  }
0x29: {  	s4 =	sld [smem:$0x3FB2]  }
0x2a: {  	p0 =	seq.s32 s5, $0x0;
	s5 =	sld [smem:$0x3FB3]  }
0x2b: {  	s6 =	sld [smem:$0x3FB4]  }
0x2c: {  	s7 =	sld [smem:$0x3FB5]  }
0x2d: {  	s3 =	simm.s32 $0x108;
	s8 =	sld [smem:$0x3FB6]  }
0x2e: {  	s3 =	simm.s32 @!p0 $0x1082;
	s9 =	sld [smem:$0x3FB7]  }
0x2f: {  	lr =	sadd.s32 s0, s3;
	s0 =	sld [smem:$0x3FAE]  }
0x30: {  	s3 =	sld [smem:$0x3FB1]  }
0x31: {  	[smem:$0x3FBA] =	sst s10  }
0x32: {  	s10 =	sld [smem:$0x3FB8];
	_ =	sdelay $0x3  }
0x33: {  	p0 =	seq.s32 s10, $0x1;
	s10 =	sld [smem:$0x3FBA];
	_ =	sdelay $0x3  }
0x34: {  	[smem:$0x3FBA] =	sst s10  }
0x35: {  	s10 =	sld [smem:$0x3FB9];
	_ =	sdelay $0x3  }
0x36: {  	p1 =	seq.s32 s10, $0x1;
	s10 =	sld [smem:$0x3FBA];
	_ =	sdelay $0x3  }
0x37: {  	[smem:$0x3FBA] =	sst s10  }
0x38: {  	s10 =	sld [smem:$0x3FBB]  }
0x39: {  	_ = 	snop;
	(pc) =	sbr.ind lr, $3  }
0x3a: {  	_ = 	snop  }
0x3b: {  	_ = 	snop  }
0x3c: {  	p2 =	seq.s32 s10, $0x1;
	s10 =	sld [smem:$0x3FBA]  }
0x3d: {  	_ =	shalt  }
0x3e: {  	_ =	shalt  }
0x3f: {  	_ =	shalt  }
0x40: {  	_ =	shalt  }
0x41: {  	_ =	shalt  }
0x42: {  	_ =	shalt  }
0x43: {  	_ =	shalt  }
0x44: {  	_ =	shalt  }
0x45: {  	_ =	shalt  }
0x46: {  	_ =	shalt  }
0x47: {  	_ =	shalt  }
0x48: {  	_ =	shalt  }
0x49: {  	_ =	shalt  }
0x4a: {  	_ =	shalt  }
0x4b: {  	_ =	shalt  }
0x4c: {  	_ =	shalt  }
0x4d: {  	_ =	shalt  }
0x4e: {  	_ =	shalt  }
0x4f: {  	_ =	shalt  }
0x50: {  	_ =	shalt  }
0x51: {  	_ =	shalt  }
0x52: {  	_ =	shalt  }
0x53: {  	_ =	shalt  }
0x54: {  	_ =	shalt  }
0x55: {  	_ =	shalt  }
0x56: {  	_ =	shalt  }
0x57: {  	_ =	shalt  }
0x58: {  	_ =	shalt  }
0x59: {  	_ =	shalt  }
0x5a: {  	_ =	shalt  }
0x5b: {  	_ =	shalt  }
0x5c: {  	_ =	shalt  }
0x5d: {  	_ =	shalt  }
0x5e: {  	_ =	shalt  }
0x5f: {  	_ =	shalt  }
0x60: {  	_ =	shalt  }
0x61: {  	_ =	shalt  }
0x62: {  	_ =	shalt  }
0x63: {  	_ =	shalt  }
0x64: {  	_ =	shalt  }
0x65: {  	_ =	shalt  }
0x66: {  	_ =	shalt  }
0x67: {  	_ =	shalt  }
0x68: {  	_ =	shalt  }
0x69: {  	_ =	shalt  }
0x6a: {  	_ =	shalt  }
0x6b: {  	_ =	shalt  }
0x6c: {  	_ =	shalt  }
0x6d: {  	_ =	shalt  }
0x6e: {  	_ =	shalt  }
0x6f: {  	_ =	shalt  }
0x70: {  	_ =	shalt  }
0x71: {  	_ =	shalt  }
0x72: {  	_ =	shalt  }
0x73: {  	_ =	shalt  }
0x74: {  	_ =	shalt  }
0x75: {  	_ =	shalt  }
0x76: {  	_ =	shalt  }
0x77: {  	_ =	shalt  }
0x78: {  	_ =	shalt  }
0x79: {  	_ =	shalt  }
0x7a: {  	_ =	shalt  }
0x7b: {  	_ =	shalt  }
0x7c: {  	_ =	shalt  }
0x7d: {  	_ =	shalt  }
0x7e: {  	_ =	shalt  }
0x7f: {  	_ =	shalt  }
0x80: {  	_ =	shalt  }
0x81: {  	_ =	shalt  }
0x82: {  	_ =	shalt  }
0x83: {  	_ =	shalt  }
0x84: {  	_ =	shalt  }
0x85: {  	_ =	shalt  }
0x86: {  	_ =	shalt  }
0x87: {  	_ =	shalt  }
.Lfunc_end0:
.L_simem_size_0:
called_computation_lowered:
.L_overlay_start_0:
0x88: {  	s2 =	sld [smem:$0x3FD9]  }
0x89: {  	s3 =	sld [smem:$0x3FFE];
	_ =	sdelay $0x1  }
0x8a: {  	s1 =	srdreg.scid  }
0x8b: {  	s0 =	sand.u32 $0x1, s1  }
0x8c: {  	s14 =	sshll.u32 s0, $0xA;
	s2 =	sadd.s32 s3, s2  }
0x8d: {  	s2 =	sadd.s32 s2, s14  }
0x8e: {  	[smem:$0x3FC6] =	sst s2  }
0x8f: {  	_ = 	snop  }
0x90: {  	s2 =	sld [smem:$0x3FD0];
	_ =	sdelay $0x2  }
0x91: {  	s4 =	simm.s32 $0xA;
	s5 =	simm.s32 $0x10;
	s15 =	sld [smem:$0x3FC8]  }
0x92: {  	[smem:s5], [sflag:s4] =	dma.local [hbm:s2], $0x1  }
0x93: {  	_ =	swait.eq [sflag:s4], $0x1  }
0x94: {  	[sflag:s4] =	ssyncset.done $0x0  }
0x95: {  	[sflag:s4] =	ssyncadd.s32 $0xFFFFFFFF  }
0x96: {  	s16 =	sld [smem:$0x10];
	(tm) =	ssettm $0x1  }
0x97: {  	s17 =	sld [smem:$0x3FFB];
	_ =	sdelay $0x3  }
0x98: {  	_ =	strace s17  }
0x99: {  	s4 =	sld [smem:$0x3FFC];
	_ =	sdelay $0x3  }
0x9a: {  	_ =	strace s4  }
0x9b: {  	s4 =	sld [smem:$0x3FFD];
	_ =	sdelay $0x3  }
0x9c: {  	_ =	strace s4  }
0x9d: {  	_ =	strace $0x8FFFFFFF  }
0x9e: {  	s18 =	sld [smem:$0x3FDB];
	_ =	sdelay $0x1  }
0x9f: {  	s19 =	simm.s32 $_scs_section_size  }
0xa0: {  	s6 =	simm.s32 $_size__tile_overlayer_lowered;
	s7 =	simm.s32 $_tile_overlayer_lowered  }
0xa1: {  	s22 =	simm.s32 $0x1BFF;
	s21 =	sshll.u32 s7, $0x1;
	s4 =	sadd.s32 s19, s18  }
0xa2: {  	s8 =	simm.s32 $0x0;
	s20 =	sshll.u32 s6, $0x1;
	s6 =	sadd.s32 s21, s4  }
0xa3: {  	[timem:s8], [sflag:s22] =	dma.local [hbm:s6], s20  }
0xa4: {  	_ =	swait.ge [sflag:s22], s20  }
0xa5: {  	s5 =	ssub.s32 $0x0, s20;
	[sflag:s22] =	ssyncset.done $0x0  }
0xa6: {  	[sflag:s22] =	ssyncadd.s32 s5;
	_ =	sdelay $0x1  }
0xa7: {  	s23 =	simm.s32 $0x1B8B  }
0xa8: {  	_ =	swait.ge [sflag:s23], $0x1  }
0xa9: {  	[sflag:s23] =	ssyncset.done $0x0  }
0xaa: {  	s25 =	simm.s32 $0x1B8E;
	s24 =	sld [smem:$0x3FFE];
	[sflag:s23] =	ssyncadd.s32 $0xFFFFFFFF  }
0xab: {  	s26 =	simm.s32 $execute0_lowered;
	[smem:$0x3FD2] =	sst s25  }
0xac: {  	s6 =	sshll.u32 s26, $0x1;
	_ =	strace $0x80000046;
	[dreg:$0x1] =	wrdreg $0xFFFFFFFF  }
0xad: {  	s28 =	simm.s32 $_size_execute0_lowered;
	s4 =	sadd.s32 s4, s6;
	[dreg:$0x0] =	wrdreg $0x0  }
0xae: {  	s6 =	sshll.u32 s28, $0x1;
	[dreg:$0x2] =	wrdreg s4  }
0xaf: {  	[dreg:$0x3] =	wrdreg s6  }
0xb0: {  	[dreg:$0x4] =	wrdreg $0xC0  }
0xb1: {  	_ =	task [dreg:s8], $0x5FFFF  }
0xb2: {  	[dreg:$0x1] =	wrdreg $0xFFFFFFFF  }
0xb3: {  	[dreg:$0x0] =	wrdreg $0x60  }
0xb4: {  	[dreg:$0x2] =	wrdreg s15  }
0xb5: {  	[dreg:$0x3] =	wrdreg s16  }
0xb6: {  	[dreg:$0x4] =	wrdreg s24  }
0xb7: {  	[dreg:$0x5] =	wrdreg $0x9  }
0xb8: {  	_ =	task.clear_ibuf [dreg:s8], $0x6FFFF;
	_ =	strace $0x90000046  }
0xb9: {  	s29 =	simm.s32 $0x9;
	_ =	strace $0x80000048  }
0xba: {  	_ =	swait.ge [sflag:s29], $0x1  }
0xbb: {  	[sflag:s29] =	ssyncadd.s32 $0xFFFFFFFF  }
0xbc: {  	_ =	strace $0x90000048  }
0xbd: {  	_ =	sfence  }
0xbe: {  	s30 =	sld [smem:$0x0];
	_ =	sdelay $0x2  }
0xbf: {  	s31 =	sshll.u32 s1, $0xD;
	s1 =	sshrl.u32 s1, $0x2  }
0xc0: {  	s3 =	sand.u32 $0x4000, s31;
	s1 =	sadd.s32 s1, s30  }
0xc1: {  	s0 =	sor.u32 s3, s0;
	s1 =	sshll.u32 s1, $0x11  }
0xc2: {  	s0 =	sor.u32 s1, s0  }
0xc3: {  	s0 =	sadd.s32 $0x8F2B, s0  }
0xc4: {  	[sflag:s0] =	ssyncadd.remote.s32 $0x1  }
0xc5: {  	_ =	sfence.sel $0xFFFF  }
0xc6: {  	[dreg:$0x0] =	wrdreg $0xFFFFFFFF;
	(pc) =	sbr.abs _section_cstart, $3  }
0xc7: {  	[dreg:$0x1] =	wrdreg $0xFFFFFFFF  }
0xc8: {  	_ =	task.clear_ibuf [dreg:s8], $0x2FFFF;
	_ =	strace $0x9FFFFFFF  }
0xc9: {  	(tm) =	ssettm $0x7FFFFFFF  }
tec
execute0_lowered:
.L_overlay_start_1:
0x0: {  	(tag) =	ssettag $0x1  }
0x1: {  	s1 =	rddreg [dreg:$0x0]  }
0x2: {  	s0 =	srdreg.scid;
	s2 =	rddreg [dreg:$0x1]  }
0x3: {  	s3 =	stileid.u32;
	s4 =	rddreg [dreg:$0x2]  }
0x4: {  	s13 =	simm.s32 $0x2;
	s15 =	simm.s32 $0xA00;
	s16 =	simm.s32 $0x1200  }
0x5: {  	s17 =	simm.s32 $0x1A00;
	s18 =	simm.s32 $0x2200;
	s19 =	simm.s32 $0x2A00  }
0x6: {  	s20 =	simm.s32 $0x3200;
	s21 =	simm.s32 $0x3A00;
	s28 =	simm.s32 $0x6200  }
0x7: {  	s29 =	simm.s32 $0x6A00;
	s30 =	simm.s32 $0x7200;
	s31 =	simm.s32 $0x7A00  }
0x8: {  	s7 =	simm.s32 $0x9A00;
	s8 =	simm.s32 $0xA200;
	s9 =	simm.s32 $0xAA00  }
0x9: {  	s10 =	simm.s32 $0xB200;
	s11 =	simm.s32 $0xBA00;
	s0 =	sand.u32 $0x1, s0  }
0xa: {  	s5 =	sshll.u32 s3, $0xA;
	s3 =	simm.s32 $0x0;
	s6 =	sshll.u32 s0, $0x9  }
0xb: {  	[smem:$0x7FF] =	sst s3;
	s0 =	ssub.s32 $0x2, s0;
	s5 =	sor.u32 s6, s5  }
0xc: {  	_ =	strace $0x80000047;
	s6 =	sshll.u32 s5, $0x5;
	s5 =	sshrl.u32 s5, $0x3  }
0xd: {  	s25 =	sshrl.u32 s0, $0x1;
	s4 =	sadd.s32 s6, s4;
	s2 =	sadd.s32 s2, s5  }
0xe: {  	s0 =	ssub.s32 s0, s25;
	[dreg:$0x4] =	wrdreg s2;
	s22 =	sadd.s32 $0xE00, s4  }
0xf: {  	s25 =	simm.s32 $0x5200;
	s23 =	sadd.s32 $0x1E00, s4;
	[dreg:$0x5] =	wrdreg s22  }
0x10: {  	s5 =	simm.s32 $0x3;
	s24 =	sadd.s32 $0x2E00, s4;
	[dreg:$0x6] =	wrdreg s23  }
0x11: {  	v2 =	vlaneseq.u32;
	s26 =	sadd.s32 $0x3E00, s4;
	s4 =	smax.u32 s0, $0x1;
	[dreg:$0x7] =	wrdreg s24  }
0x12: {  	vm0 =	vmmov $0xffff;
	v1 =	vshrl.u32 v2, $0x3;
	s2 =	simm.s32 $0x1;
	[dreg:$0x8] =	wrdreg s26;
	s23 =	simm.s32 $0x4200  }
0x13: {  	v0 =	vand.u32 $0x7, v2;
	v2 =	vor.u32 $0x8, v2;
	v1 =	vmul.u32 $0x8, v1;
	s24 =	simm.s32 $0x4A00;
	s26 =	simm.s32 $0x5A00;
	s22 =	simm.s32 $0x9200  }
.LBB2_1:
0x14: {  	s14 =	rddreg [dreg:$0x4]  }
0x15: {  	[tilespmem:s3], [sflag:$0x3] =	stream.linear.gather [hbm4b:s14+s3], $0x200, $0x38;
	[tilespmem:$0x10200] =	vst v63  }
0x16: {  	_ =	swait.ge [sflag:s5], $0x200  }
0x17: {  	[sflag:s5] =	ssyncset.done $0x0  }
0x18: {  	[sflag:s5] =	ssyncadd.s32 $0xFFFFFE00  }
0x19: {  	v3 =	vld [tilespmem:$0x0];
	_ =	sdelay $0x4  }
0x1a: {  	v4 =	vshll.u32 v3, $0x1  }
0x1b: {  	v3 =	vand.u32 $0x7, v3;
	v4 =	vand.u32 $0xFFFFFFF0, v4  }
0x1c: {  	v3 =	vor.u32 v3, v4  }
0x1d: {  	v4 =	vperm.xlane v3, v0;
	_ =	sdelay $0x1  }
0x1e: {  	v3 =	vperm.xlane v3, v2;
	v4 =	vadd.s32 v1, v4;
	_ =	sdelay $0x1  }
0x1f: {  	v3 =	vadd.s32 v1, v3;
	_ =	sdelay $0x1  }
0x20: {  	s0 =	simm.s32 $0x200  }
0x21: {  	[tilespmem:s0], [sflag:$0x1] =	stream.indirect_vreg.gather [hbm4b:s1+s3], $0x80, v4, vm0, $0xb8;
	[tilespmem:$0x10200] =	vst v63  }
0x22: {  	_ = 	snop  }
0x23: {  	[tilespmem:s15], [sflag:$0x1] =	stream.indirect_vreg.gather [hbm4b:s1+s3], $0x80, v3, vm0, $0xb8;
	[tilespmem:$0x10200] =	vst v63  }
0x24: {  	v3 =	vld [tilespmem:$0x10];
	_ =	sdelay $0x4  }
0x25: {  	v33 =	vshll.u32 v3, $0x1  }
0x26: {  	v3 =	vand.u32 $0x7, v3;
	v4 =	vand.u32 $0xFFFFFFF0, v33  }
0x27: {  	v3 =	vor.u32 v3, v4  }
0x28: {  	v4 =	vperm.xlane v3, v0;
	_ =	sdelay $0x1  }
0x29: {  	v3 =	vperm.xlane v3, v2;
	v4 =	vadd.s32 v1, v4;
	_ =	sdelay $0x1  }
0x2a: {  	v3 =	vadd.s32 v1, v3;
	_ =	sdelay $0x2  }
0x2b: {  	[tilespmem:s16], [sflag:$0x1] =	stream.indirect_vreg.gather [hbm4b:s1+s3], $0x80, v4, vm0, $0xb8;
	[tilespmem:$0x10200] =	vst v63  }
0x2c: {  	_ = 	snop  }
0x2d: {  	[tilespmem:s17], [sflag:$0x1] =	stream.indirect_vreg.gather [hbm4b:s1+s3], $0x80, v3, vm0, $0xb8;
	[tilespmem:$0x10200] =	vst v63  }
0x2e: {  	v3 =	vld [tilespmem:$0x20];
	_ =	sdelay $0x4  }
0x2f: {  	v34 =	vshll.u32 v3, $0x1  }
0x30: {  	v3 =	vand.u32 $0x7, v3;
	v4 =	vand.u32 $0xFFFFFFF0, v34  }
0x31: {  	v3 =	vor.u32 v3, v4  }
0x32: {  	v4 =	vperm.xlane v3, v0;
	_ =	sdelay $0x1  }
0x33: {  	v3 =	vperm.xlane v3, v2;
	v4 =	vadd.s32 v1, v4;
	_ =	sdelay $0x1  }
0x34: {  	v3 =	vadd.s32 v1, v3;
	_ =	sdelay $0x2  }
0x35: {  	[tilespmem:s18], [sflag:$0x1] =	stream.indirect_vreg.gather [hbm4b:s1+s3], $0x80, v4, vm0, $0xb8;
	[tilespmem:$0x10200] =	vst v63  }
0x36: {  	_ = 	snop  }
0x37: {  	[tilespmem:s19], [sflag:$0x1] =	stream.indirect_vreg.gather [hbm4b:s1+s3], $0x80, v3, vm0, $0xb8;
	[tilespmem:$0x10200] =	vst v63  }
0x38: {  	v3 =	vld [tilespmem:$0x30];
	_ =	sdelay $0x4  }
0x39: {  	v35 =	vshll.u32 v3, $0x1  }
0x3a: {  	v3 =	vand.u32 $0x7, v3;
	v4 =	vand.u32 $0xFFFFFFF0, v35  }
0x3b: {  	v3 =	vor.u32 v3, v4  }
0x3c: {  	v4 =	vperm.xlane v3, v0;
	_ =	sdelay $0x1  }
0x3d: {  	v3 =	vperm.xlane v3, v2;
	v4 =	vadd.s32 v1, v4;
	_ =	sdelay $0x1  }
0x3e: {  	v3 =	vadd.s32 v1, v3;
	_ =	sdelay $0x2  }
0x3f: {  	[tilespmem:s20], [sflag:$0x1] =	stream.indirect_vreg.gather [hbm4b:s1+s3], $0x80, v4, vm0, $0xb8;
	[tilespmem:$0x10200] =	vst v63  }
0x40: {  	_ = 	snop  }
0x41: {  	[tilespmem:s21], [sflag:$0x1] =	stream.indirect_vreg.gather [hbm4b:s1+s3], $0x80, v3, vm0, $0xb8;
	[tilespmem:$0x10200] =	vst v63  }
0x42: {  	v3 =	vld [tilespmem:$0x40];
	_ =	sdelay $0x4  }
0x43: {  	v36 =	vshll.u32 v3, $0x1  }
0x44: {  	v3 =	vand.u32 $0x7, v3;
	v4 =	vand.u32 $0xFFFFFFF0, v36  }
0x45: {  	v3 =	vor.u32 v3, v4  }
0x46: {  	v4 =	vperm.xlane v3, v0;
	_ =	sdelay $0x1  }
0x47: {  	v3 =	vperm.xlane v3, v2;
	v4 =	vadd.s32 v1, v4;
	_ =	sdelay $0x1  }
0x48: {  	v3 =	vadd.s32 v1, v3;
	_ =	sdelay $0x2  }
0x49: {  	[tilespmem:s23], [sflag:$0x1] =	stream.indirect_vreg.gather [hbm4b:s1+s3], $0x80, v4, vm0, $0xb8;
	[tilespmem:$0x10200] =	vst v63  }
0x4a: {  	_ = 	snop  }
0x4b: {  	[tilespmem:s24], [sflag:$0x1] =	stream.indirect_vreg.gather [hbm4b:s1+s3], $0x80, v3, vm0, $0xb8;
	[tilespmem:$0x10200] =	vst v63  }
0x4c: {  	v3 =	vld [tilespmem:$0x50];
	_ =	sdelay $0x4  }
0x4d: {  	v37 =	vshll.u32 v3, $0x1  }
0x4e: {  	v3 =	vand.u32 $0x7, v3;
	v4 =	vand.u32 $0xFFFFFFF0, v37  }
0x4f: {  	v3 =	vor.u32 v3, v4  }
0x50: {  	v4 =	vperm.xlane v3, v0;
	_ =	sdelay $0x1  }
0x51: {  	v3 =	vperm.xlane v3, v2;
	v4 =	vadd.s32 v1, v4;
	_ =	sdelay $0x1  }
0x52: {  	v3 =	vadd.s32 v1, v3;
	_ =	sdelay $0x2  }
0x53: {  	[tilespmem:s25], [sflag:$0x1] =	stream.indirect_vreg.gather [hbm4b:s1+s3], $0x80, v4, vm0, $0xb8;
	[tilespmem:$0x10200] =	vst v63  }
0x54: {  	_ = 	snop  }
0x55: {  	[tilespmem:s26], [sflag:$0x1] =	stream.indirect_vreg.gather [hbm4b:s1+s3], $0x80, v3, vm0, $0xb8;
	[tilespmem:$0x10200] =	vst v63  }
0x56: {  	v3 =	vld [tilespmem:$0x60];
	_ =	sdelay $0x4  }
0x57: {  	v38 =	vshll.u32 v3, $0x1  }
0x58: {  	v3 =	vand.u32 $0x7, v3;
	v4 =	vand.u32 $0xFFFFFFF0, v38  }
0x59: {  	v3 =	vor.u32 v3, v4  }
0x5a: {  	v4 =	vperm.xlane v3, v0;
	_ =	sdelay $0x1  }
0x5b: {  	v3 =	vperm.xlane v3, v2;
	v4 =	vadd.s32 v1, v4;
	_ =	sdelay $0x1  }
0x5c: {  	v3 =	vadd.s32 v1, v3;
	_ =	sdelay $0x2  }
0x5d: {  	[tilespmem:s28], [sflag:$0x1] =	stream.indirect_vreg.gather [hbm4b:s1+s3], $0x80, v4, vm0, $0xb8;
	[tilespmem:$0x10200] =	vst v63  }
0x5e: {  	_ = 	snop  }
0x5f: {  	[tilespmem:s29], [sflag:$0x1] =	stream.indirect_vreg.gather [hbm4b:s1+s3], $0x80, v3, vm0, $0xb8;
	[tilespmem:$0x10200] =	vst v63  }
0x60: {  	v3 =	vld [tilespmem:$0x70];
	_ =	sdelay $0x4  }
0x61: {  	v39 =	vshll.u32 v3, $0x1  }
0x62: {  	v3 =	vand.u32 $0x7, v3;
	v4 =	vand.u32 $0xFFFFFFF0, v39  }
0x63: {  	v3 =	vor.u32 v3, v4  }
0x64: {  	v4 =	vperm.xlane v3, v0;
	_ =	sdelay $0x1  }
0x65: {  	v3 =	vperm.xlane v3, v2;
	v4 =	vadd.s32 v1, v4;
	_ =	sdelay $0x1  }
0x66: {  	v3 =	vadd.s32 v1, v3;
	_ =	sdelay $0x2  }
0x67: {  	[tilespmem:s30], [sflag:$0x1] =	stream.indirect_vreg.gather [hbm4b:s1+s3], $0x80, v4, vm0, $0xb8;
	[tilespmem:$0x10200] =	vst v63  }
0x68: {  	_ = 	snop  }
0x69: {  	[tilespmem:s31], [sflag:$0x1] =	stream.indirect_vreg.gather [hbm4b:s1+s3], $0x80, v3, vm0, $0xb8;
	[tilespmem:$0x10200] =	vst v63  }
0x6a: {  	v3 =	vld [tilespmem:$0x80];
	_ =	sdelay $0x4  }
0x6b: {  	v40 =	vshll.u32 v3, $0x1  }
0x6c: {  	v3 =	vand.u32 $0x7, v3;
	v4 =	vand.u32 $0xFFFFFFF0, v40  }
0x6d: {  	v3 =	vor.u32 v3, v4  }
0x6e: {  	v4 =	vperm.xlane v3, v0;
	_ =	sdelay $0x1  }
0x6f: {  	v3 =	vperm.xlane v3, v2;
	v4 =	vadd.s32 v1, v4;
	_ =	sdelay $0x1  }
0x70: {  	v3 =	vadd.s32 v1, v3;
	_ =	sdelay $0x1  }
0x71: {  	s0 =	simm.s32 $0x8200  }
0x72: {  	[tilespmem:s0], [sflag:$0x2] =	stream.indirect_vreg.gather [hbm4b:s1+s3], $0x80, v4, vm0, $0xb8;
	[tilespmem:$0x10200] =	vst v63  }
0x73: {  	s6 =	simm.s32 $0x8A00  }
0x74: {  	[tilespmem:s6], [sflag:$0x2] =	stream.indirect_vreg.gather [hbm4b:s1+s3], $0x80, v3, vm0, $0xb8;
	[tilespmem:$0x10200] =	vst v63  }
0x75: {  	v3 =	vld [tilespmem:$0x90];
	_ =	sdelay $0x4  }
0x76: {  	v41 =	vshll.u32 v3, $0x1  }
0x77: {  	v3 =	vand.u32 $0x7, v3;
	v4 =	vand.u32 $0xFFFFFFF0, v41  }
0x78: {  	v3 =	vor.u32 v3, v4  }
0x79: {  	v4 =	vperm.xlane v3, v0;
	_ =	sdelay $0x1  }
0x7a: {  	v3 =	vperm.xlane v3, v2;
	v4 =	vadd.s32 v1, v4;
	_ =	sdelay $0x1  }
0x7b: {  	v3 =	vadd.s32 v1, v3;
	_ =	sdelay $0x2  }
0x7c: {  	[tilespmem:s22], [sflag:$0x2] =	stream.indirect_vreg.gather [hbm4b:s1+s3], $0x80, v4, vm0, $0xb8;
	[tilespmem:$0x10200] =	vst v63  }
0x7d: {  	_ = 	snop  }
0x7e: {  	[tilespmem:s7], [sflag:$0x2] =	stream.indirect_vreg.gather [hbm4b:s1+s3], $0x80, v3, vm0, $0xb8;
	[tilespmem:$0x10200] =	vst v63  }
0x7f: {  	v3 =	vld [tilespmem:$0xA0];
	_ =	sdelay $0x4  }
0x80: {  	v42 =	vshll.u32 v3, $0x1  }
0x81: {  	v3 =	vand.u32 $0x7, v3;
	v4 =	vand.u32 $0xFFFFFFF0, v42  }
0x82: {  	v3 =	vor.u32 v3, v4  }
0x83: {  	v4 =	vperm.xlane v3, v0;
	_ =	sdelay $0x1  }
0x84: {  	v3 =	vperm.xlane v3, v2;
	v4 =	vadd.s32 v1, v4;
	_ =	sdelay $0x1  }
0x85: {  	v3 =	vadd.s32 v1, v3;
	_ =	sdelay $0x2  }
0x86: {  	[tilespmem:s8], [sflag:$0x2] =	stream.indirect_vreg.gather [hbm4b:s1+s3], $0x80, v4, vm0, $0xb8;
	[tilespmem:$0x10200] =	vst v63  }
0x87: {  	_ = 	snop  }
0x88: {  	[tilespmem:s9], [sflag:$0x2] =	stream.indirect_vreg.gather [hbm4b:s1+s3], $0x80, v3, vm0, $0xb8;
	[tilespmem:$0x10200] =	vst v63  }
0x89: {  	v3 =	vld [tilespmem:$0xB0];
	_ =	sdelay $0x4  }
0x8a: {  	v43 =	vshll.u32 v3, $0x1  }
0x8b: {  	v3 =	vand.u32 $0x7, v3;
	v4 =	vand.u32 $0xFFFFFFF0, v43  }
0x8c: {  	v3 =	vor.u32 v3, v4  }
0x8d: {  	v4 =	vperm.xlane v3, v0;
	_ =	sdelay $0x1  }
0x8e: {  	v3 =	vperm.xlane v3, v2;
	v4 =	vadd.s32 v1, v4;
	_ =	sdelay $0x1  }
0x8f: {  	v3 =	vadd.s32 v1, v3;
	_ =	sdelay $0x2  }
0x90: {  	[tilespmem:s10], [sflag:$0x2] =	stream.indirect_vreg.gather [hbm4b:s1+s3], $0x80, v4, vm0, $0xb8;
	[tilespmem:$0x10200] =	vst v63  }
0x91: {  	_ = 	snop  }
0x92: {  	[tilespmem:s11], [sflag:$0x2] =	stream.indirect_vreg.gather [hbm4b:s1+s3], $0x80, v3, vm0, $0xb8;
	[tilespmem:$0x10200] =	vst v63  }
0x93: {  	v3 =	vld [tilespmem:$0xC0];
	_ =	sdelay $0x4  }
0x94: {  	v44 =	vshll.u32 v3, $0x1  }
0x95: {  	v3 =	vand.u32 $0x7, v3;
	v4 =	vand.u32 $0xFFFFFFF0, v44  }
0x96: {  	v3 =	vor.u32 v3, v4  }
0x97: {  	v4 =	vperm.xlane v3, v0;
	_ =	sdelay $0x1  }
0x98: {  	v3 =	vperm.xlane v3, v2;
	v4 =	vadd.s32 v1, v4;
	_ =	sdelay $0x1  }
0x99: {  	v3 =	vadd.s32 v1, v3;
	_ =	sdelay $0x1  }
0x9a: {  	s6 =	simm.s32 $0xC200  }
0x9b: {  	[tilespmem:s6], [sflag:$0x2] =	stream.indirect_vreg.gather [hbm4b:s1+s3], $0x80, v4, vm0, $0xb8;
	[tilespmem:$0x10200] =	vst v63  }
0x9c: {  	s12 =	simm.s32 $0xCA00  }
0x9d: {  	[tilespmem:s12], [sflag:$0x2] =	stream.indirect_vreg.gather [hbm4b:s1+s3], $0x80, v3, vm0, $0xb8;
	[tilespmem:$0x10200] =	vst v63  }
0x9e: {  	v3 =	vld [tilespmem:$0xD0];
	_ =	sdelay $0x4  }
0x9f: {  	v45 =	vshll.u32 v3, $0x1  }
0xa0: {  	v3 =	vand.u32 $0x7, v3;
	v4 =	vand.u32 $0xFFFFFFF0, v45  }
0xa1: {  	v3 =	vor.u32 v3, v4  }
0xa2: {  	v4 =	vperm.xlane v3, v0;
	_ =	sdelay $0x1  }
0xa3: {  	v3 =	vperm.xlane v3, v2;
	v4 =	vadd.s32 v1, v4;
	_ =	sdelay $0x1  }
0xa4: {  	v3 =	vadd.s32 v1, v3;
	_ =	sdelay $0x1  }
0xa5: {  	s14 =	simm.s32 $0xD200  }
0xa6: {  	[tilespmem:s14], [sflag:$0x2] =	stream.indirect_vreg.gather [hbm4b:s1+s3], $0x80, v4, vm0, $0xb8;
	[tilespmem:$0x10200] =	vst v63  }
0xa7: {  	s14 =	simm.s32 $0xDA00  }
0xa8: {  	[tilespmem:s14], [sflag:$0x2] =	stream.indirect_vreg.gather [hbm4b:s1+s3], $0x80, v3, vm0, $0xb8;
	[tilespmem:$0x10200] =	vst v63  }
0xa9: {  	v3 =	vld [tilespmem:$0xE0];
	_ =	sdelay $0x4  }
0xaa: {  	v46 =	vshll.u32 v3, $0x1  }
0xab: {  	v3 =	vand.u32 $0x7, v3;
	v4 =	vand.u32 $0xFFFFFFF0, v46  }
0xac: {  	v3 =	vor.u32 v3, v4  }
0xad: {  	v4 =	vperm.xlane v3, v0;
	_ =	sdelay $0x1  }
0xae: {  	v3 =	vperm.xlane v3, v2;
	v4 =	vadd.s32 v1, v4;
	_ =	sdelay $0x1  }
0xaf: {  	v3 =	vadd.s32 v1, v3;
	_ =	sdelay $0x1  }
0xb0: {  	s14 =	simm.s32 $0xE200  }
0xb1: {  	[tilespmem:s14], [sflag:$0x2] =	stream.indirect_vreg.gather [hbm4b:s1+s3], $0x80, v4, vm0, $0xb8;
	[tilespmem:$0x10200] =	vst v63  }
0xb2: {  	s14 =	simm.s32 $0xEA00  }
0xb3: {  	[tilespmem:s14], [sflag:$0x2] =	stream.indirect_vreg.gather [hbm4b:s1+s3], $0x80, v3, vm0, $0xb8;
	[tilespmem:$0x10200] =	vst v63  }
0xb4: {  	v3 =	vld [tilespmem:$0xF0];
	_ =	sdelay $0x4  }
0xb5: {  	v47 =	vshll.u32 v3, $0x1  }
0xb6: {  	v3 =	vand.u32 $0x7, v3;
	v4 =	vand.u32 $0xFFFFFFF0, v47  }
0xb7: {  	v3 =	vor.u32 v3, v4  }
0xb8: {  	v4 =	vperm.xlane v3, v0;
	_ =	sdelay $0x1  }
0xb9: {  	v3 =	vperm.xlane v3, v2;
	v4 =	vadd.s32 v1, v4;
	_ =	sdelay $0x1  }
0xba: {  	v3 =	vadd.s32 v1, v3;
	_ =	sdelay $0x1  }
0xbb: {  	s14 =	simm.s32 $0xF200  }
0xbc: {  	[tilespmem:s14], [sflag:$0x2] =	stream.indirect_vreg.gather [hbm4b:s1+s3], $0x80, v4, vm0, $0xb8;
	[tilespmem:$0x10200] =	vst v63  }
0xbd: {  	s14 =	simm.s32 $0xFA00  }
0xbe: {  	[tilespmem:s14], [sflag:$0x2] =	stream.indirect_vreg.gather [hbm4b:s1+s3], $0x80, v3, vm0, $0xb8;
	[tilespmem:$0x10200] =	vst v63  }
0xbf: {  	_ =	swait.ge [sflag:s2], $0x8000  }
0xc0: {  	[sflag:s2] =	ssyncset.done $0x0  }
0xc1: {  	s12 =	simm.s32 $0x200;
	s14 =	rddreg [dreg:$0x5];
	[sflag:s2] =	ssyncadd.s32 $0xFFFF8000  }
0xc2: {  	[hbm4b:s14+s3] =	stream.linear.scatter [tilespmem:s12], [sflag:$0x3], $0x8000, $0x38;
	[tilespmem:$0x10200] =	vst v63  }
0xc3: {  	_ =	swait.ge [sflag:s5], $0x8000  }
0xc4: {  	[sflag:s5] =	ssyncset.done $0x0  }
0xc5: {  	[sflag:s5] =	ssyncadd.s32 $0xFFFF8000  }
0xc6: {  	v3 =	vld [tilespmem:$0x100];
	_ =	sdelay $0x4  }
0xc7: {  	v48 =	vshll.u32 v3, $0x1  }
0xc8: {  	v3 =	vand.u32 $0x7, v3;
	v4 =	vand.u32 $0xFFFFFFF0, v48  }
0xc9: {  	v3 =	vor.u32 v3, v4  }
0xca: {  	v4 =	vperm.xlane v3, v0;
	_ =	sdelay $0x1  }
0xcb: {  	v3 =	vperm.xlane v3, v2;
	v4 =	vadd.s32 v1, v4;
	_ =	sdelay $0x1  }
0xcc: {  	v3 =	vadd.s32 v1, v3;
	_ =	sdelay $0x2  }
0xcd: {  	[tilespmem:s12], [sflag:$0x1] =	stream.indirect_vreg.gather [hbm4b:s1+s3], $0x80, v4, vm0, $0xb8;
	[tilespmem:$0x10200] =	vst v63  }
0xce: {  	_ = 	snop  }
0xcf: {  	[tilespmem:s15], [sflag:$0x1] =	stream.indirect_vreg.gather [hbm4b:s1+s3], $0x80, v3, vm0, $0xb8;
	[tilespmem:$0x10200] =	vst v63  }
0xd0: {  	v3 =	vld [tilespmem:$0x110];
	_ =	sdelay $0x4  }
0xd1: {  	v49 =	vshll.u32 v3, $0x1  }
0xd2: {  	v3 =	vand.u32 $0x7, v3;
	v4 =	vand.u32 $0xFFFFFFF0, v49  }
0xd3: {  	v3 =	vor.u32 v3, v4  }
0xd4: {  	v4 =	vperm.xlane v3, v0;
	_ =	sdelay $0x1  }
0xd5: {  	v3 =	vperm.xlane v3, v2;
	v4 =	vadd.s32 v1, v4;
	_ =	sdelay $0x1  }
0xd6: {  	v3 =	vadd.s32 v1, v3;
	_ =	sdelay $0x2  }
0xd7: {  	[tilespmem:s16], [sflag:$0x1] =	stream.indirect_vreg.gather [hbm4b:s1+s3], $0x80, v4, vm0, $0xb8;
	[tilespmem:$0x10200] =	vst v63  }
0xd8: {  	_ = 	snop  }
0xd9: {  	[tilespmem:s17], [sflag:$0x1] =	stream.indirect_vreg.gather [hbm4b:s1+s3], $0x80, v3, vm0, $0xb8;
	[tilespmem:$0x10200] =	vst v63  }
0xda: {  	v3 =	vld [tilespmem:$0x120];
	_ =	sdelay $0x4  }
0xdb: {  	v50 =	vshll.u32 v3, $0x1  }
0xdc: {  	v3 =	vand.u32 $0x7, v3;
	v4 =	vand.u32 $0xFFFFFFF0, v50  }
0xdd: {  	v3 =	vor.u32 v3, v4  }
0xde: {  	v4 =	vperm.xlane v3, v0;
	_ =	sdelay $0x1  }
0xdf: {  	v3 =	vperm.xlane v3, v2;
	v4 =	vadd.s32 v1, v4;
	_ =	sdelay $0x1  }
0xe0: {  	v3 =	vadd.s32 v1, v3;
	_ =	sdelay $0x2  }
0xe1: {  	[tilespmem:s18], [sflag:$0x1] =	stream.indirect_vreg.gather [hbm4b:s1+s3], $0x80, v4, vm0, $0xb8;
	[tilespmem:$0x10200] =	vst v63  }
0xe2: {  	_ = 	snop  }
0xe3: {  	[tilespmem:s19], [sflag:$0x1] =	stream.indirect_vreg.gather [hbm4b:s1+s3], $0x80, v3, vm0, $0xb8;
	[tilespmem:$0x10200] =	vst v63  }
0xe4: {  	v3 =	vld [tilespmem:$0x130];
	_ =	sdelay $0x4  }
0xe5: {  	v51 =	vshll.u32 v3, $0x1  }
0xe6: {  	v3 =	vand.u32 $0x7, v3;
	v4 =	vand.u32 $0xFFFFFFF0, v51  }
0xe7: {  	v3 =	vor.u32 v3, v4  }
0xe8: {  	v4 =	vperm.xlane v3, v0;
	_ =	sdelay $0x1  }
0xe9: {  	v3 =	vperm.xlane v3, v2;
	v4 =	vadd.s32 v1, v4;
	_ =	sdelay $0x1  }
0xea: {  	v3 =	vadd.s32 v1, v3;
	_ =	sdelay $0x2  }
0xeb: {  	[tilespmem:s20], [sflag:$0x1] =	stream.indirect_vreg.gather [hbm4b:s1+s3], $0x80, v4, vm0, $0xb8;
	[tilespmem:$0x10200] =	vst v63  }
0xec: {  	_ = 	snop  }
0xed: {  	[tilespmem:s21], [sflag:$0x1] =	stream.indirect_vreg.gather [hbm4b:s1+s3], $0x80, v3, vm0, $0xb8;
	[tilespmem:$0x10200] =	vst v63  }
0xee: {  	v3 =	vld [tilespmem:$0x140];
	_ =	sdelay $0x4  }
0xef: {  	v52 =	vshll.u32 v3, $0x1  }
0xf0: {  	v3 =	vand.u32 $0x7, v3;
	v4 =	vand.u32 $0xFFFFFFF0, v52  }
0xf1: {  	v3 =	vor.u32 v3, v4  }
0xf2: {  	v4 =	vperm.xlane v3, v0;
	_ =	sdelay $0x1  }
0xf3: {  	v3 =	vperm.xlane v3, v2;
	v4 =	vadd.s32 v1, v4;
	_ =	sdelay $0x1  }
0xf4: {  	v3 =	vadd.s32 v1, v3;
	_ =	sdelay $0x2  }
0xf5: {  	[tilespmem:s23], [sflag:$0x1] =	stream.indirect_vreg.gather [hbm4b:s1+s3], $0x80, v4, vm0, $0xb8;
	[tilespmem:$0x10200] =	vst v63  }
0xf6: {  	_ = 	snop  }
0xf7: {  	[tilespmem:s24], [sflag:$0x1] =	stream.indirect_vreg.gather [hbm4b:s1+s3], $0x80, v3, vm0, $0xb8;
	[tilespmem:$0x10200] =	vst v63  }
0xf8: {  	v3 =	vld [tilespmem:$0x150];
	_ =	sdelay $0x4  }
0xf9: {  	v53 =	vshll.u32 v3, $0x1  }
0xfa: {  	v3 =	vand.u32 $0x7, v3;
	v4 =	vand.u32 $0xFFFFFFF0, v53  }
0xfb: {  	v3 =	vor.u32 v3, v4  }
0xfc: {  	v4 =	vperm.xlane v3, v0;
	_ =	sdelay $0x1  }
0xfd: {  	v3 =	vperm.xlane v3, v2;
	v4 =	vadd.s32 v1, v4;
	_ =	sdelay $0x1  }
0xfe: {  	v3 =	vadd.s32 v1, v3;
	_ =	sdelay $0x2  }
0xff: {  	[tilespmem:s25], [sflag:$0x1] =	stream.indirect_vreg.gather [hbm4b:s1+s3], $0x80, v4, vm0, $0xb8;
	[tilespmem:$0x10200] =	vst v63  }
0x100: {  	_ = 	snop  }
0x101: {  	[tilespmem:s26], [sflag:$0x1] =	stream.indirect_vreg.gather [hbm4b:s1+s3], $0x80, v3, vm0, $0xb8;
	[tilespmem:$0x10200] =	vst v63  }
0x102: {  	v3 =	vld [tilespmem:$0x160];
	_ =	sdelay $0x4  }
0x103: {  	v54 =	vshll.u32 v3, $0x1  }
0x104: {  	v3 =	vand.u32 $0x7, v3;
	v4 =	vand.u32 $0xFFFFFFF0, v54  }
0x105: {  	v3 =	vor.u32 v3, v4  }
0x106: {  	v4 =	vperm.xlane v3, v0;
	_ =	sdelay $0x1  }
0x107: {  	v3 =	vperm.xlane v3, v2;
	v4 =	vadd.s32 v1, v4;
	_ =	sdelay $0x1  }
0x108: {  	v3 =	vadd.s32 v1, v3;
	_ =	sdelay $0x2  }
0x109: {  	[tilespmem:s28], [sflag:$0x1] =	stream.indirect_vreg.gather [hbm4b:s1+s3], $0x80, v4, vm0, $0xb8;
	[tilespmem:$0x10200] =	vst v63  }
0x10a: {  	_ = 	snop  }
0x10b: {  	[tilespmem:s29], [sflag:$0x1] =	stream.indirect_vreg.gather [hbm4b:s1+s3], $0x80, v3, vm0, $0xb8;
	[tilespmem:$0x10200] =	vst v63  }
0x10c: {  	v3 =	vld [tilespmem:$0x170];
	_ =	sdelay $0x4  }
0x10d: {  	v55 =	vshll.u32 v3, $0x1  }
0x10e: {  	v3 =	vand.u32 $0x7, v3;
	v4 =	vand.u32 $0xFFFFFFF0, v55  }
0x10f: {  	v3 =	vor.u32 v3, v4  }
0x110: {  	v4 =	vperm.xlane v3, v0;
	_ =	sdelay $0x1  }
0x111: {  	v3 =	vperm.xlane v3, v2;
	v4 =	vadd.s32 v1, v4;
	_ =	sdelay $0x1  }
0x112: {  	v3 =	vadd.s32 v1, v3;
	_ =	sdelay $0x2  }
0x113: {  	[tilespmem:s30], [sflag:$0x1] =	stream.indirect_vreg.gather [hbm4b:s1+s3], $0x80, v4, vm0, $0xb8;
	[tilespmem:$0x10200] =	vst v63  }
0x114: {  	_ = 	snop  }
0x115: {  	[tilespmem:s31], [sflag:$0x1] =	stream.indirect_vreg.gather [hbm4b:s1+s3], $0x80, v3, vm0, $0xb8;
	[tilespmem:$0x10200] =	vst v63  }
0x116: {  	_ =	swait.ge [sflag:s13], $0x8000  }
0x117: {  	[sflag:s13] =	ssyncset.done $0x0  }
0x118: {  	s12 =	rddreg [dreg:$0x6];
	[sflag:s13] =	ssyncadd.s32 $0xFFFF8000  }
0x119: {  	[hbm4b:s12+s3] =	stream.linear.scatter [tilespmem:s0], [sflag:$0x3], $0x8000, $0x38;
	[tilespmem:$0x10200] =	vst v63  }
0x11a: {  	_ =	swait.ge [sflag:s5], $0x8000  }
0x11b: {  	[sflag:s5] =	ssyncset.done $0x0  }
0x11c: {  	[sflag:s5] =	ssyncadd.s32 $0xFFFF8000  }
0x11d: {  	v3 =	vld [tilespmem:$0x180];
	_ =	sdelay $0x4  }
0x11e: {  	v56 =	vshll.u32 v3, $0x1  }
0x11f: {  	v3 =	vand.u32 $0x7, v3;
	v4 =	vand.u32 $0xFFFFFFF0, v56  }
0x120: {  	v3 =	vor.u32 v3, v4  }
0x121: {  	v4 =	vperm.xlane v3, v0;
	_ =	sdelay $0x1  }
0x122: {  	v3 =	vperm.xlane v3, v2;
	v4 =	vadd.s32 v1, v4;
	_ =	sdelay $0x1  }
0x123: {  	v3 =	vadd.s32 v1, v3;
	_ =	sdelay $0x2  }
0x124: {  	[tilespmem:s0], [sflag:$0x2] =	stream.indirect_vreg.gather [hbm4b:s1+s3], $0x80, v4, vm0, $0xb8;
	[tilespmem:$0x10200] =	vst v63  }
0x125: {  	s14 =	simm.s32 $0x8A00  }
0x126: {  	[tilespmem:s14], [sflag:$0x2] =	stream.indirect_vreg.gather [hbm4b:s1+s3], $0x80, v3, vm0, $0xb8;
	[tilespmem:$0x10200] =	vst v63  }
0x127: {  	v3 =	vld [tilespmem:$0x190];
	_ =	sdelay $0x4  }
0x128: {  	v57 =	vshll.u32 v3, $0x1  }
0x129: {  	v3 =	vand.u32 $0x7, v3;
	v4 =	vand.u32 $0xFFFFFFF0, v57  }
0x12a: {  	v3 =	vor.u32 v3, v4  }
0x12b: {  	v4 =	vperm.xlane v3, v0;
	_ =	sdelay $0x1  }
0x12c: {  	v3 =	vperm.xlane v3, v2;
	v4 =	vadd.s32 v1, v4;
	_ =	sdelay $0x1  }
0x12d: {  	v3 =	vadd.s32 v1, v3;
	_ =	sdelay $0x2  }
0x12e: {  	[tilespmem:s22], [sflag:$0x2] =	stream.indirect_vreg.gather [hbm4b:s1+s3], $0x80, v4, vm0, $0xb8;
	[tilespmem:$0x10200] =	vst v63  }
0x12f: {  	_ = 	snop  }
0x130: {  	[tilespmem:s7], [sflag:$0x2] =	stream.indirect_vreg.gather [hbm4b:s1+s3], $0x80, v3, vm0, $0xb8;
	[tilespmem:$0x10200] =	vst v63  }
0x131: {  	v3 =	vld [tilespmem:$0x1A0];
	_ =	sdelay $0x4  }
0x132: {  	v58 =	vshll.u32 v3, $0x1  }
0x133: {  	v3 =	vand.u32 $0x7, v3;
	v4 =	vand.u32 $0xFFFFFFF0, v58  }
0x134: {  	v3 =	vor.u32 v3, v4  }
0x135: {  	v4 =	vperm.xlane v3, v0;
	_ =	sdelay $0x1  }
0x136: {  	v3 =	vperm.xlane v3, v2;
	v4 =	vadd.s32 v1, v4;
	_ =	sdelay $0x1  }
0x137: {  	v3 =	vadd.s32 v1, v3;
	_ =	sdelay $0x2  }
0x138: {  	[tilespmem:s8], [sflag:$0x2] =	stream.indirect_vreg.gather [hbm4b:s1+s3], $0x80, v4, vm0, $0xb8;
	[tilespmem:$0x10200] =	vst v63  }
0x139: {  	_ = 	snop  }
0x13a: {  	[tilespmem:s9], [sflag:$0x2] =	stream.indirect_vreg.gather [hbm4b:s1+s3], $0x80, v3, vm0, $0xb8;
	[tilespmem:$0x10200] =	vst v63  }
0x13b: {  	v3 =	vld [tilespmem:$0x1B0];
	_ =	sdelay $0x4  }
0x13c: {  	v59 =	vshll.u32 v3, $0x1  }
0x13d: {  	v3 =	vand.u32 $0x7, v3;
	v4 =	vand.u32 $0xFFFFFFF0, v59  }
0x13e: {  	v3 =	vor.u32 v3, v4  }
0x13f: {  	v4 =	vperm.xlane v3, v0;
	_ =	sdelay $0x1  }
0x140: {  	v3 =	vperm.xlane v3, v2;
	v4 =	vadd.s32 v1, v4;
	_ =	sdelay $0x1  }
0x141: {  	v3 =	vadd.s32 v1, v3;
	_ =	sdelay $0x2  }
0x142: {  	[tilespmem:s10], [sflag:$0x2] =	stream.indirect_vreg.gather [hbm4b:s1+s3], $0x80, v4, vm0, $0xb8;
	[tilespmem:$0x10200] =	vst v63  }
0x143: {  	_ = 	snop  }
0x144: {  	[tilespmem:s11], [sflag:$0x2] =	stream.indirect_vreg.gather [hbm4b:s1+s3], $0x80, v3, vm0, $0xb8;
	[tilespmem:$0x10200] =	vst v63  }
0x145: {  	v3 =	vld [tilespmem:$0x1C0];
	_ =	sdelay $0x4  }
0x146: {  	v60 =	vshll.u32 v3, $0x1  }
0x147: {  	v3 =	vand.u32 $0x7, v3;
	v4 =	vand.u32 $0xFFFFFFF0, v60  }
0x148: {  	v3 =	vor.u32 v3, v4  }
0x149: {  	v4 =	vperm.xlane v3, v0;
	_ =	sdelay $0x1  }
0x14a: {  	v3 =	vperm.xlane v3, v2;
	v4 =	vadd.s32 v1, v4;
	_ =	sdelay $0x1  }
0x14b: {  	v3 =	vadd.s32 v1, v3;
	_ =	sdelay $0x2  }
0x14c: {  	[tilespmem:s6], [sflag:$0x2] =	stream.indirect_vreg.gather [hbm4b:s1+s3], $0x80, v4, vm0, $0xb8;
	[tilespmem:$0x10200] =	vst v63  }
0x14d: {  	s14 =	simm.s32 $0xCA00  }
0x14e: {  	[tilespmem:s14], [sflag:$0x2] =	stream.indirect_vreg.gather [hbm4b:s1+s3], $0x80, v3, vm0, $0xb8;
	[tilespmem:$0x10200] =	vst v63  }
0x14f: {  	v3 =	vld [tilespmem:$0x1D0];
	_ =	sdelay $0x4  }
0x150: {  	v61 =	vshll.u32 v3, $0x1  }
0x151: {  	v3 =	vand.u32 $0x7, v3;
	v4 =	vand.u32 $0xFFFFFFF0, v61  }
0x152: {  	v3 =	vor.u32 v3, v4  }
0x153: {  	v4 =	vperm.xlane v3, v0;
	_ =	sdelay $0x1  }
0x154: {  	v3 =	vperm.xlane v3, v2;
	v4 =	vadd.s32 v1, v4;
	_ =	sdelay $0x1  }
0x155: {  	v3 =	vadd.s32 v1, v3;
	_ =	sdelay $0x1  }
0x156: {  	s12 =	simm.s32 $0xD200  }
0x157: {  	[tilespmem:s12], [sflag:$0x2] =	stream.indirect_vreg.gather [hbm4b:s1+s3], $0x80, v4, vm0, $0xb8;
	[tilespmem:$0x10200] =	vst v63  }
0x158: {  	s14 =	simm.s32 $0xDA00  }
0x159: {  	[tilespmem:s14], [sflag:$0x2] =	stream.indirect_vreg.gather [hbm4b:s1+s3], $0x80, v3, vm0, $0xb8;
	[tilespmem:$0x10200] =	vst v63  }
0x15a: {  	v3 =	vld [tilespmem:$0x1E0];
	_ =	sdelay $0x4  }
0x15b: {  	v62 =	vshll.u32 v3, $0x1  }
0x15c: {  	v3 =	vand.u32 $0x7, v3;
	v4 =	vand.u32 $0xFFFFFFF0, v62  }
0x15d: {  	v3 =	vor.u32 v3, v4  }
0x15e: {  	v4 =	vperm.xlane v3, v0;
	_ =	sdelay $0x1  }
0x15f: {  	v3 =	vperm.xlane v3, v2;
	v4 =	vadd.s32 v1, v4;
	_ =	sdelay $0x1  }
0x160: {  	v3 =	vadd.s32 v1, v3;
	_ =	sdelay $0x1  }
0x161: {  	s12 =	simm.s32 $0xE200  }
0x162: {  	[tilespmem:s12], [sflag:$0x2] =	stream.indirect_vreg.gather [hbm4b:s1+s3], $0x80, v4, vm0, $0xb8;
	[tilespmem:$0x10200] =	vst v63  }
0x163: {  	s14 =	simm.s32 $0xEA00  }
0x164: {  	[tilespmem:s14], [sflag:$0x2] =	stream.indirect_vreg.gather [hbm4b:s1+s3], $0x80, v3, vm0, $0xb8;
	[tilespmem:$0x10200] =	vst v63  }
0x165: {  	v3 =	vld [tilespmem:$0x1F0];
	_ =	sdelay $0x4  }
0x166: {  	v63 =	vshll.u32 v3, $0x1  }
0x167: {  	v3 =	vand.u32 $0x7, v3;
	v4 =	vand.u32 $0xFFFFFFF0, v63  }
0x168: {  	v3 =	vor.u32 v3, v4  }
0x169: {  	v4 =	vperm.xlane v3, v0;
	_ =	sdelay $0x1  }
0x16a: {  	v3 =	vperm.xlane v3, v2;
	v4 =	vadd.s32 v1, v4;
	_ =	sdelay $0x1  }
0x16b: {  	v3 =	vadd.s32 v1, v3;
	_ =	sdelay $0x1  }
0x16c: {  	s12 =	simm.s32 $0xF200  }
0x16d: {  	[tilespmem:s12], [sflag:$0x2] =	stream.indirect_vreg.gather [hbm4b:s1+s3], $0x80, v4, vm0, $0xb8;
	[tilespmem:$0x10200] =	vst v63  }
0x16e: {  	s14 =	simm.s32 $0xFA00  }
0x16f: {  	[tilespmem:s14], [sflag:$0x2] =	stream.indirect_vreg.gather [hbm4b:s1+s3], $0x80, v3, vm0, $0xb8;
	[tilespmem:$0x10200] =	vst v63  }
0x170: {  	_ =	swait.ge [sflag:s2], $0x8000  }
0x171: {  	[sflag:s2] =	ssyncset.done $0x0  }
0x172: {  	s12 =	simm.s32 $0x200;
	s6 =	rddreg [dreg:$0x7];
	[sflag:s2] =	ssyncadd.s32 $0xFFFF8000  }
0x173: {  	[hbm4b:s6+s3] =	stream.linear.scatter [tilespmem:s12], [sflag:$0x3], $0x8000, $0x38;
	[tilespmem:$0x10200] =	vst v63  }
0x174: {  	_ =	swait.ge [sflag:s5], $0x8000  }
0x175: {  	[sflag:s5] =	ssyncset.done $0x0  }
0x176: {  	[sflag:s5] =	ssyncadd.s32 $0xFFFF8000  }
0x177: {  	_ =	swait.ge [sflag:s13], $0x8000  }
0x178: {  	p0 =	sne.s32 s4, $0x1;
	[sflag:s13] =	ssyncset.done $0x0  }
.Ltmp0:
0x179: {  	s12 =	rddreg [dreg:$0x8];
	[sflag:s13] =	ssyncadd.s32 $0xFFFF8000;
	(pc) =	sbr.rel @p0 .LBB2_1-.Ltmp0, $4  }
0x17a: {  	[hbm4b:s12+s3] =	stream.linear.scatter [tilespmem:s0], [sflag:$0x3], $0x8000, $0x38;
	[tilespmem:$0x10200] =	vst v63  }
0x17b: {  	_ =	swait.ge [sflag:s5], $0x8000  }
0x17c: {  	[sflag:s5] =	ssyncset.done $0x0  }
0x17d: {  	s4 =	sadd.s32 $0xFFFFFFFF, s4;
	[sflag:s5] =	ssyncadd.s32 $0xFFFF8000  }
0x17e: {  	_ =	sfence.sel $0x180000  }
0x17f: {  	[bflag:$0x0] =	sbarrier.arrive $0xFFFF  }
0x180: {  	_ =	strace $0x90000047  }
0x181: {  	s0 =	stileid.u32;
	[bflag:$0x2] =	sbarrier.arrive $0xFFFF  }
0x182: {  	p0 =	sne.s32 s0, $0x0;
	s0 =	rddreg [dreg:$0x3]  }
0x183: {  	s0 =	sadd.s32 @!p0 $0x100000, s0  }
0x184: {  	[sflag:s0] =	ssyncadd.tile.s32 @!p0 $0x1;
	_ =	shalt  }
.Lfunc_end2:
_tile_overlayer_lowered:
.L_overlay_start_2:
0x185: {  	(tag) =	ssettag $0x2  }
0x186: {  	s0 =	rddreg [dreg:$0x0];
	s2 =	stileid.u32  }
0x187: {  	s1 =	rddreg [dreg:$0x1];
	p0 =	sne.s32 s2, $0x0  }
0x188: {  	s3 =	rddreg [dreg:$0x2];
	[bflag:$0x3] =	sbarrier.arrive $0xFFFF;
	s2 =	simm.s32 @!p0 $0x1C03  }
0x189: {  	[timem:s3], [sflag:s2] =	dma.local @!p0 [hbm:s0], s1  }
0x18a: {  	s0 =	simm.s32 @!p0 $0x3  }
0x18b: {  	_ =	swait.ge @!p0 [sflag:s0], s1  }
0x18c: {  	s1 =	ssub.s32 @!p0 $0x0, s1;
	[sflag:s0] =	ssyncset.done @!p0 $0x0  }
0x18d: {  	[sflag:s0] =	ssyncadd.s32 @!p0 s1  }
0x18e: {  	[bflag:$0x3] =	sbarrier.arrive $0xFFFF  }
0x18f: {  	_ =	shalt  }

</sc_bundles>
